<compile_context>
chip_gen: v7x
topology: tpu7x:2x2x1
jax: 0.10.2.dev20260603
libtpu: 0.0.44.dev20260713+nightly
codegen_flags: <defaults>
</compile_context>

<pallas_src>
import jax
import jax.numpy as jnp
from jax import lax
from jax.experimental import pallas as pl
from jax.experimental.pallas import tpu as pltpu
from jax.experimental.pallas import tpu_sc as plsc

_STM = 2048
_EMB = 2048
_NW = 32
_ROWS = _STM // _NW
_CH = 8
_NCHUNK = _ROWS // _CH
_NBUF = 7


def _stripe_copy(layer_hbm, mem_hbm, out_hbm, layer_v, bufs, gsem, ssem):
    c = lax.axis_index("c")
    s = lax.axis_index("s")
    wid = s * 2 + c
    pltpu.sync_copy(layer_hbm, layer_v.at[pl.ds(0, 8)])
    layer = layer_v[...][0]
    base = wid * _ROWS

    gathers = [None] * _NCHUNK
    scatters = [None] * _NCHUNK
    for i in range(_NBUF):
        gathers[i] = pltpu.make_async_copy(
            mem_hbm.at[layer, pl.ds(base + i * _CH, _CH)], bufs[i],
            gsem[i])
        gathers[i].start()
    for i in range(_NCHUNK):
        j = i % _NBUF
        gathers[i].wait()
        scatters[i] = pltpu.make_async_copy(
            bufs[j], out_hbm.at[0, pl.ds(base + i * _CH, _CH)], ssem[j])
        scatters[i].start()
        nxt = i + _NBUF
        if nxt < _NCHUNK:
            scatters[i].wait()
            gathers[nxt] = pltpu.make_async_copy(
                mem_hbm.at[layer, pl.ds(base + nxt * _CH, _CH)], bufs[j],
                gsem[j])
            gathers[nxt].start()
    for i in range(max(_NCHUNK - _NBUF, 0), _NCHUNK):
        scatters[i].wait()


_sc_copy = pl.kernel(
    _stripe_copy,
    out_type=jax.ShapeDtypeStruct((1, _STM, _EMB), jnp.float32),
    mesh=plsc.VectorSubcoreMesh(core_axis_name="c", subcore_axis_name="s"),
    scratch_types=[
        pltpu.VMEM((16,), jnp.int32),
        [pltpu.VMEM((_CH, _EMB), jnp.float32)] * _NBUF,
        [pltpu.SemaphoreType.DMA] * _NBUF,
        [pltpu.SemaphoreType.DMA] * _NBUF,
    ],
)


def kernel(memory, layer):
    layer_arr = jnp.broadcast_to(jnp.asarray(layer, dtype=jnp.int32), (8,))
    return _sc_copy(layer_arr, memory)

# --- scband reference (transcript-rebuilt; emitter-appended) ---
"""Pipeline reference for scband-short-term-memory-11845519802754 (READ-ONLY COPY).

The authoritative reference and input builder live on the scoring server;
editing this copy changes nothing except your own understanding.
"""

import jax, jax.numpy as jnp
import numpy as np

NUM_LAYERS = 24
EMBED_DIM = 2048
STM_SIZE = 2048

def setup_inputs(seed: int = 0) -> dict:
    key = jax.random.key(seed)
    memory = jax.random.normal(key, (NUM_LAYERS, STM_SIZE, EMBED_DIM), dtype=jnp.float32) * 0.02
    layer = 5
    return {"memory": memory, "layer": layer}

def reference(memory, layer):
    # Faithful translation of ShortTermMemory.forward:
    # return self.memory[layer].unsqueeze(0)
    return memory[layer][None, :, :]

if __name__ == "__main__":
    import jax
    _d = setup_inputs()
    print(jax.jit(kernel)(*tuple(_d.values())))

</pallas_src>

<mosaic_0001>
#map = affine_map<(d0, d1) -> (0)>
#map1 = affine_map<(d0, d1) -> (0, 0, 0)>
module attributes {stable_mosaic.version = 14 : i64} {
  func.func @_stripe_copy(%arg0: i32, %arg1: i32, %arg2: memref<8xi32, #tpu.memory_space<hbm>>, %arg3: memref<24x2048x2048xf32, #tpu.memory_space<hbm>>, %arg4: memref<1x2048x2048xf32, #tpu.memory_space<hbm>>, %arg5: memref<16xi32, #tpu.memory_space<vmem>>, %arg6: memref<8x2048xf32, #tpu.memory_space<vmem>>, %arg7: memref<8x2048xf32, #tpu.memory_space<vmem>>, %arg8: memref<8x2048xf32, #tpu.memory_space<vmem>>, %arg9: memref<8x2048xf32, #tpu.memory_space<vmem>>, %arg10: memref<8x2048xf32, #tpu.memory_space<vmem>>, %arg11: memref<8x2048xf32, #tpu.memory_space<vmem>>, %arg12: memref<8x2048xf32, #tpu.memory_space<vmem>>, %arg13: memref<!tpu.dma_semaphore, #tpu.memory_space<semaphore_mem>>, %arg14: memref<!tpu.dma_semaphore, #tpu.memory_space<semaphore_mem>>, %arg15: memref<!tpu.dma_semaphore, #tpu.memory_space<semaphore_mem>>, %arg16: memref<!tpu.dma_semaphore, #tpu.memory_space<semaphore_mem>>, %arg17: memref<!tpu.dma_semaphore, #tpu.memory_space<semaphore_mem>>, %arg18: memref<!tpu.dma_semaphore, #tpu.memory_space<semaphore_mem>>, %arg19: memref<!tpu.dma_semaphore, #tpu.memory_space<semaphore_mem>>, %arg20: memref<!tpu.dma_semaphore, #tpu.memory_space<semaphore_mem>>, %arg21: memref<!tpu.dma_semaphore, #tpu.memory_space<semaphore_mem>>, %arg22: memref<!tpu.dma_semaphore, #tpu.memory_space<semaphore_mem>>, %arg23: memref<!tpu.dma_semaphore, #tpu.memory_space<semaphore_mem>>, %arg24: memref<!tpu.dma_semaphore, #tpu.memory_space<semaphore_mem>>, %arg25: memref<!tpu.dma_semaphore, #tpu.memory_space<semaphore_mem>>, %arg26: memref<!tpu.dma_semaphore, #tpu.memory_space<semaphore_mem>>) attributes {dimension_semantics = [#tpu.dimension_semantics<core_parallel>, #tpu.dimension_semantics<subcore_parallel>], iteration_bounds = array<i64: 2, 16>, scalar_prefetch = 0 : i64, scratch_operands = 22 : i64, tpu.core_type = #tpu.core_type<sc_vector_subcore>, window_params = [{transform_indices = #map}, {transform_indices = #map1}, {transform_indices = #map1}]} {
    %mul3A = arith.constant 2 : i32
    %mul3A_0 = arith.muli %arg1, %mul3A : i32
    %add3A = arith.addi %mul3A_0, %arg0 : i32
    "tpu.region"() ({
      %run_scoped3A = tpu.sem_alloc : memref<!tpu.dma_semaphore, #tpu.memory_space<semaphore_mem>>
      %dma_start3A_243 = arith.constant 0 : i32
      %dma_start3A_244 = tpu.memref_slice %arg5[%dma_start3A_243] : memref<16xi32, #tpu.memory_space<vmem>> -> memref<8xi32, #tpu.memory_space<vmem>>
      %dma_start3A_245 = arith.constant 0 : i32
      %dma_start3A_246 = tpu.memref_slice %arg5[%dma_start3A_245] : memref<16xi32, #tpu.memory_space<vmem>> -> memref<8xi32, #tpu.memory_space<vmem>>
      tpu.enqueue_dma source(%arg2 : memref<8xi32, #tpu.memory_space<hbm>>) target(%dma_start3A_246 : memref<8xi32, #tpu.memory_space<vmem>>) target_semaphore(%run_scoped3A : memref<!tpu.dma_semaphore, #tpu.memory_space<semaphore_mem>>)
      %dma_wait3A_247 = arith.constant 0 : i32
      %dma_wait3A_248 = tpu.memref_slice %arg5[%dma_wait3A_247] : memref<16xi32, #tpu.memory_space<vmem>> -> memref<8xi32, #tpu.memory_space<vmem>>
      %dma_wait3A_249 = arith.constant 0 : i32
      %dma_wait3A_250 = tpu.memref_slice %arg5[%dma_wait3A_249] : memref<16xi32, #tpu.memory_space<vmem>> -> memref<8xi32, #tpu.memory_space<vmem>>
      tpu.wait_dma2 semaphore(%run_scoped3A : memref<!tpu.dma_semaphore, #tpu.memory_space<semaphore_mem>>) src(%arg2 : memref<8xi32, #tpu.memory_space<hbm>>) dst(%dma_wait3A_250 : memref<8xi32, #tpu.memory_space<vmem>>)
      tpu.yield
    }) : () -> ()
    %get3A = arith.constant 0 : index
    %get3A_1 = tpu.vector_load %arg5[%get3A] {strides = array<i32>} : memref<16xi32, #tpu.memory_space<vmem>>, vector<16xi32>,
    %get3A_2 = vector.shape_cast %get3A_1 : vector<16xi32> to vector<16xi32>
    %slice3A = vector.extract_strided_slice %get3A_2 {offsets = [0], sizes = [1], strides = [1]} : vector<16xi32> to vector<1xi32>
    %squeeze3A = vector.extract %slice3A[0] : i32 from vector<1xi32>
    %mul3A_3 = arith.constant 64 : i32
    %mul3A_4 = arith.muli %add3A, %mul3A_3 : i32
    %add3A_5 = arith.constant 0 : i32
    %add3A_6 = arith.addi %mul3A_4, %add3A_5 : i32
    %dma_start3A = arith.constant 0 : i32
    %dma_start3A_7 = tpu.memref_slice %arg3[%squeeze3A, %add3A_6, %dma_start3A] : memref<24x2048x2048xf32, #tpu.memory_space<hbm>> -> memref<1x8x2048xf32, #tpu.memory_space<hbm>>
    %dma_start3A_8 = tpu.memref_squeeze %dma_start3A_7 : memref<1x8x2048xf32, #tpu.memory_space<hbm>> -> memref<8x2048xf32, #tpu.memory_space<hbm>>
    %dma_start3A_9 = arith.constant 0 : i32
    %dma_start3A_10 = tpu.memref_slice %arg3[%squeeze3A, %add3A_6, %dma_start3A_9] : memref<24x2048x2048xf32, #tpu.memory_space<hbm>> -> memref<1x8x2048xf32, #tpu.memory_space<hbm>>
    %dma_start3A_11 = tpu.memref_squeeze %dma_start3A_10 : memref<1x8x2048xf32, #tpu.memory_space<hbm>> -> memref<8x2048xf32, #tpu.memory_space<hbm>>
    tpu.enqueue_dma source(%dma_start3A_11 : memref<8x2048xf32, #tpu.memory_space<hbm>>) target(%arg6 : memref<8x2048xf32, #tpu.memory_space<vmem>>) target_semaphore(%arg13 : memref<!tpu.dma_semaphore, #tpu.memory_space<semaphore_mem>>)
    %add3A_12 = arith.constant 8 : i32
    %add3A_13 = arith.addi %mul3A_4, %add3A_12 : i32
    %dma_start3A_14 = arith.constant 0 : i32
    %dma_start3A_15 = tpu.memref_slice %arg3[%squeeze3A, %add3A_13, %dma_start3A_14] : memref<24x2048x2048xf32, #tpu.memory_space<hbm>> -> memref<1x8x2048xf32, #tpu.memory_space<hbm>>
    %dma_start3A_16 = tpu.memref_squeeze %dma_start3A_15 : memref<1x8x2048xf32, #tpu.memory_space<hbm>> -> memref<8x2048xf32, #tpu.memory_space<hbm>>
    %dma_start3A_17 = arith.constant 0 : i32
    %dma_start3A_18 = tpu.memref_slice %arg3[%squeeze3A, %add3A_13, %dma_start3A_17] : memref<24x2048x2048xf32, #tpu.memory_space<hbm>> -> memref<1x8x2048xf32, #tpu.memory_space<hbm>>
    %dma_start3A_19 = tpu.memref_squeeze %dma_start3A_18 : memref<1x8x2048xf32, #tpu.memory_space<hbm>> -> memref<8x2048xf32, #tpu.memory_space<hbm>>
    tpu.enqueue_dma source(%dma_start3A_19 : memref<8x2048xf32, #tpu.memory_space<hbm>>) target(%arg7 : memref<8x2048xf32, #tpu.memory_space<vmem>>) target_semaphore(%arg14 : memref<!tpu.dma_semaphore, #tpu.memory_space<semaphore_mem>>)
    %add3A_20 = arith.constant 16 : i32
    %add3A_21 = arith.addi %mul3A_4, %add3A_20 : i32
    %dma_start3A_22 = arith.constant 0 : i32
    %dma_start3A_23 = tpu.memref_slice %arg3[%squeeze3A, %add3A_21, %dma_start3A_22] : memref<24x2048x2048xf32, #tpu.memory_space<hbm>> -> memref<1x8x2048xf32, #tpu.memory_space<hbm>>
    %dma_start3A_24 = tpu.memref_squeeze %dma_start3A_23 : memref<1x8x2048xf32, #tpu.memory_space<hbm>> -> memref<8x2048xf32, #tpu.memory_space<hbm>>
    %dma_start3A_25 = arith.constant 0 : i32
    %dma_start3A_26 = tpu.memref_slice %arg3[%squeeze3A, %add3A_21, %dma_start3A_25] : memref<24x2048x2048xf32, #tpu.memory_space<hbm>> -> memref<1x8x2048xf32, #tpu.memory_space<hbm>>
    %dma_start3A_27 = tpu.memref_squeeze %dma_start3A_26 : memref<1x8x2048xf32, #tpu.memory_space<hbm>> -> memref<8x2048xf32, #tpu.memory_space<hbm>>
    tpu.enqueue_dma source(%dma_start3A_27 : memref<8x2048xf32, #tpu.memory_space<hbm>>) target(%arg8 : memref<8x2048xf32, #tpu.memory_space<vmem>>) target_semaphore(%arg15 : memref<!tpu.dma_semaphore, #tpu.memory_space<semaphore_mem>>)
    %add3A_28 = arith.constant 24 : i32
    %add3A_29 = arith.addi %mul3A_4, %add3A_28 : i32
    %dma_start3A_30 = arith.constant 0 : i32
    %dma_start3A_31 = tpu.memref_slice %arg3[%squeeze3A, %add3A_29, %dma_start3A_30] : memref<24x2048x2048xf32, #tpu.memory_space<hbm>> -> memref<1x8x2048xf32, #tpu.memory_space<hbm>>
    %dma_start3A_32 = tpu.memref_squeeze %dma_start3A_31 : memref<1x8x2048xf32, #tpu.memory_space<hbm>> -> memref<8x2048xf32, #tpu.memory_space<hbm>>
    %dma_start3A_33 = arith.constant 0 : i32
    %dma_start3A_34 = tpu.memref_slice %arg3[%squeeze3A, %add3A_29, %dma_start3A_33] : memref<24x2048x2048xf32, #tpu.memory_space<hbm>> -> memref<1x8x2048xf32, #tpu.memory_space<hbm>>
    %dma_start3A_35 = tpu.memref_squeeze %dma_start3A_34 : memref<1x8x2048xf32, #tpu.memory_space<hbm>> -> memref<8x2048xf32, #tpu.memory_space<hbm>>
    tpu.enqueue_dma source(%dma_start3A_35 : memref<8x2048xf32, #tpu.memory_space<hbm>>) target(%arg9 : memref<8x2048xf32, #tpu.memory_space<vmem>>) target_semaphore(%arg16 : memref<!tpu.dma_semaphore, #tpu.memory_space<semaphore_mem>>)
    %add3A_36 = arith.constant 32 : i32
    %add3A_37 = arith.addi %mul3A_4, %add3A_36 : i32
    %dma_start3A_38 = arith.constant 0 : i32
    %dma_start3A_39 = tpu.memref_slice %arg3[%squeeze3A, %add3A_37, %dma_start3A_38] : memref<24x2048x2048xf32, #tpu.memory_space<hbm>> -> memref<1x8x2048xf32, #tpu.memory_space<hbm>>
    %dma_start3A_40 = tpu.memref_squeeze %dma_start3A_39 : memref<1x8x2048xf32, #tpu.memory_space<hbm>> -> memref<8x2048xf32, #tpu.memory_space<hbm>>
    %dma_start3A_41 = arith.constant 0 : i32
    %dma_start3A_42 = tpu.memref_slice %arg3[%squeeze3A, %add3A_37, %dma_start3A_41] : memref<24x2048x2048xf32, #tpu.memory_space<hbm>> -> memref<1x8x2048xf32, #tpu.memory_space<hbm>>
    %dma_start3A_43 = tpu.memref_squeeze %dma_start3A_42 : memref<1x8x2048xf32, #tpu.memory_space<hbm>> -> memref<8x2048xf32, #tpu.memory_space<hbm>>
    tpu.enqueue_dma source(%dma_start3A_43 : memref<8x2048xf32, #tpu.memory_space<hbm>>) target(%arg10 : memref<8x2048xf32, #tpu.memory_space<vmem>>) target_semaphore(%arg17 : memref<!tpu.dma_semaphore, #tpu.memory_space<semaphore_mem>>)
    %add3A_44 = arith.constant 40 : i32
    %add3A_45 = arith.addi %mul3A_4, %add3A_44 : i32
    %dma_start3A_46 = arith.constant 0 : i32
    %dma_start3A_47 = tpu.memref_slice %arg3[%squeeze3A, %add3A_45, %dma_start3A_46] : memref<24x2048x2048xf32, #tpu.memory_space<hbm>> -> memref<1x8x2048xf32, #tpu.memory_space<hbm>>
    %dma_start3A_48 = tpu.memref_squeeze %dma_start3A_47 : memref<1x8x2048xf32, #tpu.memory_space<hbm>> -> memref<8x2048xf32, #tpu.memory_space<hbm>>
    %dma_start3A_49 = arith.constant 0 : i32
    %dma_start3A_50 = tpu.memref_slice %arg3[%squeeze3A, %add3A_45, %dma_start3A_49] : memref<24x2048x2048xf32, #tpu.memory_space<hbm>> -> memref<1x8x2048xf32, #tpu.memory_space<hbm>>
    %dma_start3A_51 = tpu.memref_squeeze %dma_start3A_50 : memref<1x8x2048xf32, #tpu.memory_space<hbm>> -> memref<8x2048xf32, #tpu.memory_space<hbm>>
    tpu.enqueue_dma source(%dma_start3A_51 : memref<8x2048xf32, #tpu.memory_space<hbm>>) target(%arg11 : memref<8x2048xf32, #tpu.memory_space<vmem>>) target_semaphore(%arg18 : memref<!tpu.dma_semaphore, #tpu.memory_space<semaphore_mem>>)
    %add3A_52 = arith.constant 48 : i32
    %add3A_53 = arith.addi %mul3A_4, %add3A_52 : i32
    %dma_start3A_54 = arith.constant 0 : i32
    %dma_start3A_55 = tpu.memref_slice %arg3[%squeeze3A, %add3A_53, %dma_start3A_54] : memref<24x2048x2048xf32, #tpu.memory_space<hbm>> -> memref<1x8x2048xf32, #tpu.memory_space<hbm>>
    %dma_start3A_56 = tpu.memref_squeeze %dma_start3A_55 : memref<1x8x2048xf32, #tpu.memory_space<hbm>> -> memref<8x2048xf32, #tpu.memory_space<hbm>>
    %dma_start3A_57 = arith.constant 0 : i32
    %dma_start3A_58 = tpu.memref_slice %arg3[%squeeze3A, %add3A_53, %dma_start3A_57] : memref<24x2048x2048xf32, #tpu.memory_space<hbm>> -> memref<1x8x2048xf32, #tpu.memory_space<hbm>>
    %dma_start3A_59 = tpu.memref_squeeze %dma_start3A_58 : memref<1x8x2048xf32, #tpu.memory_space<hbm>> -> memref<8x2048xf32, #tpu.memory_space<hbm>>
    tpu.enqueue_dma source(%dma_start3A_59 : memref<8x2048xf32, #tpu.memory_space<hbm>>) target(%arg12 : memref<8x2048xf32, #tpu.memory_space<vmem>>) target_semaphore(%arg19 : memref<!tpu.dma_semaphore, #tpu.memory_space<semaphore_mem>>)
    %dma_wait3A = arith.constant 0 : i32
    %dma_wait3A_60 = tpu.memref_slice %arg3[%squeeze3A, %add3A_6, %dma_wait3A] : memref<24x2048x2048xf32, #tpu.memory_space<hbm>> -> memref<1x8x2048xf32, #tpu.memory_space<hbm>>
    %dma_wait3A_61 = tpu.memref_squeeze %dma_wait3A_60 : memref<1x8x2048xf32, #tpu.memory_space<hbm>> -> memref<8x2048xf32, #tpu.memory_space<hbm>>
    %dma_wait3A_62 = arith.constant 0 : i32
    %dma_wait3A_63 = tpu.memref_slice %arg3[%squeeze3A, %add3A_6, %dma_wait3A_62] : memref<24x2048x2048xf32, #tpu.memory_space<hbm>> -> memref<1x8x2048xf32, #tpu.memory_space<hbm>>
    %dma_wait3A_64 = tpu.memref_squeeze %dma_wait3A_63 : memref<1x8x2048xf32, #tpu.memory_space<hbm>> -> memref<8x2048xf32, #tpu.memory_space<hbm>>
    tpu.wait_dma2 semaphore(%arg13 : memref<!tpu.dma_semaphore, #tpu.memory_space<semaphore_mem>>) src(%dma_wait3A_64 : memref<8x2048xf32, #tpu.memory_space<hbm>>) dst(%arg6 : memref<8x2048xf32, #tpu.memory_space<vmem>>)
    %add3A_65 = arith.constant 0 : i32
    %add3A_66 = arith.addi %mul3A_4, %add3A_65 : i32
    %dma_start3A_67 = arith.constant 0 : i32
    %dma_start3A_68 = arith.constant 0 : i32
    %dma_start3A_69 = tpu.memref_slice %arg4[%dma_start3A_67, %add3A_66, %dma_start3A_68] : memref<1x2048x2048xf32, #tpu.memory_space<hbm>> -> memref<1x8x2048xf32, #tpu.memory_space<hbm>>
    %dma_start3A_70 = tpu.memref_squeeze %dma_start3A_69 : memref<1x8x2048xf32, #tpu.memory_space<hbm>> -> memref<8x2048xf32, #tpu.memory_space<hbm>>
    %dma_start3A_71 = arith.constant 0 : i32
    %dma_start3A_72 = tpu.memref_slice %arg4[%dma_start3A_67, %add3A_66, %dma_start3A_71] : memref<1x2048x2048xf32, #tpu.memory_space<hbm>> -> memref<1x8x2048xf32, #tpu.memory_space<hbm>>
    %dma_start3A_73 = tpu.memref_squeeze %dma_start3A_72 : memref<1x8x2048xf32, #tpu.memory_space<hbm>> -> memref<8x2048xf32, #tpu.memory_space<hbm>>
    tpu.enqueue_dma source(%arg6 : memref<8x2048xf32, #tpu.memory_space<vmem>>) target(%dma_start3A_73 : memref<8x2048xf32, #tpu.memory_space<hbm>>) target_semaphore(%arg20 : memref<!tpu.dma_semaphore, #tpu.memory_space<semaphore_mem>>)
    %dma_wait3A_74 = arith.constant 0 : i32
    %dma_wait3A_75 = arith.constant 0 : i32
    %dma_wait3A_76 = tpu.memref_slice %arg4[%dma_wait3A_74, %add3A_66, %dma_wait3A_75] : memref<1x2048x2048xf32, #tpu.memory_space<hbm>> -> memref<1x8x2048xf32, #tpu.memory_space<hbm>>
    %dma_wait3A_77 = tpu.memref_squeeze %dma_wait3A_76 : memref<1x8x2048xf32, #tpu.memory_space<hbm>> -> memref<8x2048xf32, #tpu.memory_space<hbm>>
    %dma_wait3A_78 = arith.constant 0 : i32
    %dma_wait3A_79 = tpu.memref_slice %arg4[%dma_wait3A_74, %add3A_66, %dma_wait3A_78] : memref<1x2048x2048xf32, #tpu.memory_space<hbm>> -> memref<1x8x2048xf32, #tpu.memory_space<hbm>>
    %dma_wait3A_80 = tpu.memref_squeeze %dma_wait3A_79 : memref<1x8x2048xf32, #tpu.memory_space<hbm>> -> memref<8x2048xf32, #tpu.memory_space<hbm>>
    tpu.wait_dma2 semaphore(%arg20 : memref<!tpu.dma_semaphore, #tpu.memory_space<semaphore_mem>>) src(%arg6 : memref<8x2048xf32, #tpu.memory_space<vmem>>) dst(%dma_wait3A_80 : memref<8x2048xf32, #tpu.memory_space<hbm>>)
    %add3A_81 = arith.constant 56 : i32
    %add3A_82 = arith.addi %mul3A_4, %add3A_81 : i32
    %dma_start3A_83 = arith.constant 0 : i32
    %dma_start3A_84 = tpu.memref_slice %arg3[%squeeze3A, %add3A_82, %dma_start3A_83] : memref<24x2048x2048xf32, #tpu.memory_space<hbm>> -> memref<1x8x2048xf32, #tpu.memory_space<hbm>>
    %dma_start3A_85 = tpu.memref_squeeze %dma_start3A_84 : memref<1x8x2048xf32, #tpu.memory_space<hbm>> -> memref<8x2048xf32, #tpu.memory_space<hbm>>
    %dma_start3A_86 = arith.constant 0 : i32
    %dma_start3A_87 = tpu.memref_slice %arg3[%squeeze3A, %add3A_82, %dma_start3A_86] : memref<24x2048x2048xf32, #tpu.memory_space<hbm>> -> memref<1x8x2048xf32, #tpu.memory_space<hbm>>
    %dma_start3A_88 = tpu.memref_squeeze %dma_start3A_87 : memref<1x8x2048xf32, #tpu.memory_space<hbm>> -> memref<8x2048xf32, #tpu.memory_space<hbm>>
    tpu.enqueue_dma source(%dma_start3A_88 : memref<8x2048xf32, #tpu.memory_space<hbm>>) target(%arg6 : memref<8x2048xf32, #tpu.memory_space<vmem>>) target_semaphore(%arg13 : memref<!tpu.dma_semaphore, #tpu.memory_space<semaphore_mem>>)
    %dma_wait3A_89 = arith.constant 0 : i32
    %dma_wait3A_90 = tpu.memref_slice %arg3[%squeeze3A, %add3A_13, %dma_wait3A_89] : memref<24x2048x2048xf32, #tpu.memory_space<hbm>> -> memref<1x8x2048xf32, #tpu.memory_space<hbm>>
    %dma_wait3A_91 = tpu.memref_squeeze %dma_wait3A_90 : memref<1x8x2048xf32, #tpu.memory_space<hbm>> -> memref<8x2048xf32, #tpu.memory_space<hbm>>
    %dma_wait3A_92 = arith.constant 0 : i32
    %dma_wait3A_93 = tpu.memref_slice %arg3[%squeeze3A, %add3A_13, %dma_wait3A_92] : memref<24x2048x2048xf32, #tpu.memory_space<hbm>> -> memref<1x8x2048xf32, #tpu.memory_space<hbm>>
    %dma_wait3A_94 = tpu.memref_squeeze %dma_wait3A_93 : memref<1x8x2048xf32, #tpu.memory_space<hbm>> -> memref<8x2048xf32, #tpu.memory_space<hbm>>
    tpu.wait_dma2 semaphore(%arg14 : memref<!tpu.dma_semaphore, #tpu.memory_space<semaphore_mem>>) src(%dma_wait3A_94 : memref<8x2048xf32, #tpu.memory_space<hbm>>) dst(%arg7 : memref<8x2048xf32, #tpu.memory_space<vmem>>)
    %add3A_95 = arith.constant 8 : i32
    %add3A_96 = arith.addi %mul3A_4, %add3A_95 : i32
    %dma_start3A_97 = arith.constant 0 : i32
    %dma_start3A_98 = arith.constant 0 : i32
    %dma_start3A_99 = tpu.memref_slice %arg4[%dma_start3A_97, %add3A_96, %dma_start3A_98] : memref<1x2048x2048xf32, #tpu.memory_space<hbm>> -> memref<1x8x2048xf32, #tpu.memory_space<hbm>>
    %dma_start3A_100 = tpu.memref_squeeze %dma_start3A_99 : memref<1x8x2048xf32, #tpu.memory_space<hbm>> -> memref<8x2048xf32, #tpu.memory_space<hbm>>
    %dma_start3A_101 = arith.constant 0 : i32
    %dma_start3A_102 = tpu.memref_slice %arg4[%dma_start3A_97, %add3A_96, %dma_start3A_101] : memref<1x2048x2048xf32, #tpu.memory_space<hbm>> -> memref<1x8x2048xf32, #tpu.memory_space<hbm>>
    %dma_start3A_103 = tpu.memref_squeeze %dma_start3A_102 : memref<1x8x2048xf32, #tpu.memory_space<hbm>> -> memref<8x2048xf32, #tpu.memory_space<hbm>>
    tpu.enqueue_dma source(%arg7 : memref<8x2048xf32, #tpu.memory_space<vmem>>) target(%dma_start3A_103 : memref<8x2048xf32, #tpu.memory_space<hbm>>) target_semaphore(%arg21 : memref<!tpu.dma_semaphore, #tpu.memory_space<semaphore_mem>>)
    %dma_wait3A_104 = arith.constant 0 : i32
    %dma_wait3A_105 = tpu.memref_slice %arg3[%squeeze3A, %add3A_21, %dma_wait3A_104] : memref<24x2048x2048xf32, #tpu.memory_space<hbm>> -> memref<1x8x2048xf32, #tpu.memory_space<hbm>>
    %dma_wait3A_106 = tpu.memref_squeeze %dma_wait3A_105 : memref<1x8x2048xf32, #tpu.memory_space<hbm>> -> memref<8x2048xf32, #tpu.memory_space<hbm>>
    %dma_wait3A_107 = arith.constant 0 : i32
    %dma_wait3A_108 = tpu.memref_slice %arg3[%squeeze3A, %add3A_21, %dma_wait3A_107] : memref<24x2048x2048xf32, #tpu.memory_space<hbm>> -> memref<1x8x2048xf32, #tpu.memory_space<hbm>>
    %dma_wait3A_109 = tpu.memref_squeeze %dma_wait3A_108 : memref<1x8x2048xf32, #tpu.memory_space<hbm>> -> memref<8x2048xf32, #tpu.memory_space<hbm>>
    tpu.wait_dma2 semaphore(%arg15 : memref<!tpu.dma_semaphore, #tpu.memory_space<semaphore_mem>>) src(%dma_wait3A_109 : memref<8x2048xf32, #tpu.memory_space<hbm>>) dst(%arg8 : memref<8x2048xf32, #tpu.memory_space<vmem>>)
    %add3A_110 = arith.constant 16 : i32
    %add3A_111 = arith.addi %mul3A_4, %add3A_110 : i32
    %dma_start3A_112 = arith.constant 0 : i32
    %dma_start3A_113 = arith.constant 0 : i32
    %dma_start3A_114 = tpu.memref_slice %arg4[%dma_start3A_112, %add3A_111, %dma_start3A_113] : memref<1x2048x2048xf32, #tpu.memory_space<hbm>> -> memref<1x8x2048xf32, #tpu.memory_space<hbm>>
    %dma_start3A_115 = tpu.memref_squeeze %dma_start3A_114 : memref<1x8x2048xf32, #tpu.memory_space<hbm>> -> memref<8x2048xf32, #tpu.memory_space<hbm>>
    %dma_start3A_116 = arith.constant 0 : i32
    %dma_start3A_117 = tpu.memref_slice %arg4[%dma_start3A_112, %add3A_111, %dma_start3A_116] : memref<1x2048x2048xf32, #tpu.memory_space<hbm>> -> memref<1x8x2048xf32, #tpu.memory_space<hbm>>
    %dma_start3A_118 = tpu.memref_squeeze %dma_start3A_117 : memref<1x8x2048xf32, #tpu.memory_space<hbm>> -> memref<8x2048xf32, #tpu.memory_space<hbm>>
    tpu.enqueue_dma source(%arg8 : memref<8x2048xf32, #tpu.memory_space<vmem>>) target(%dma_start3A_118 : memref<8x2048xf32, #tpu.memory_space<hbm>>) target_semaphore(%arg22 : memref<!tpu.dma_semaphore, #tpu.memory_space<semaphore_mem>>)
    %dma_wait3A_119 = arith.constant 0 : i32
    %dma_wait3A_120 = tpu.memref_slice %arg3[%squeeze3A, %add3A_29, %dma_wait3A_119] : memref<24x2048x2048xf32, #tpu.memory_space<hbm>> -> memref<1x8x2048xf32, #tpu.memory_space<hbm>>
    %dma_wait3A_121 = tpu.memref_squeeze %dma_wait3A_120 : memref<1x8x2048xf32, #tpu.memory_space<hbm>> -> memref<8x2048xf32, #tpu.memory_space<hbm>>
    %dma_wait3A_122 = arith.constant 0 : i32
    %dma_wait3A_123 = tpu.memref_slice %arg3[%squeeze3A, %add3A_29, %dma_wait3A_122] : memref<24x2048x2048xf32, #tpu.memory_space<hbm>> -> memref<1x8x2048xf32, #tpu.memory_space<hbm>>
    %dma_wait3A_124 = tpu.memref_squeeze %dma_wait3A_123 : memref<1x8x2048xf32, #tpu.memory_space<hbm>> -> memref<8x2048xf32, #tpu.memory_space<hbm>>
    tpu.wait_dma2 semaphore(%arg16 : memref<!tpu.dma_semaphore, #tpu.memory_space<semaphore_mem>>) src(%dma_wait3A_124 : memref<8x2048xf32, #tpu.memory_space<hbm>>) dst(%arg9 : memref<8x2048xf32, #tpu.memory_space<vmem>>)
    %add3A_125 = arith.constant 24 : i32
    %add3A_126 = arith.addi %mul3A_4, %add3A_125 : i32
    %dma_start3A_127 = arith.constant 0 : i32
    %dma_start3A_128 = arith.constant 0 : i32
    %dma_start3A_129 = tpu.memref_slice %arg4[%dma_start3A_127, %add3A_126, %dma_start3A_128] : memref<1x2048x2048xf32, #tpu.memory_space<hbm>> -> memref<1x8x2048xf32, #tpu.memory_space<hbm>>
    %dma_start3A_130 = tpu.memref_squeeze %dma_start3A_129 : memref<1x8x2048xf32, #tpu.memory_space<hbm>> -> memref<8x2048xf32, #tpu.memory_space<hbm>>
    %dma_start3A_131 = arith.constant 0 : i32
    %dma_start3A_132 = tpu.memref_slice %arg4[%dma_start3A_127, %add3A_126, %dma_start3A_131] : memref<1x2048x2048xf32, #tpu.memory_space<hbm>> -> memref<1x8x2048xf32, #tpu.memory_space<hbm>>
    %dma_start3A_133 = tpu.memref_squeeze %dma_start3A_132 : memref<1x8x2048xf32, #tpu.memory_space<hbm>> -> memref<8x2048xf32, #tpu.memory_space<hbm>>
    tpu.enqueue_dma source(%arg9 : memref<8x2048xf32, #tpu.memory_space<vmem>>) target(%dma_start3A_133 : memref<8x2048xf32, #tpu.memory_space<hbm>>) target_semaphore(%arg23 : memref<!tpu.dma_semaphore, #tpu.memory_space<semaphore_mem>>)
    %dma_wait3A_134 = arith.constant 0 : i32
    %dma_wait3A_135 = tpu.memref_slice %arg3[%squeeze3A, %add3A_37, %dma_wait3A_134] : memref<24x2048x2048xf32, #tpu.memory_space<hbm>> -> memref<1x8x2048xf32, #tpu.memory_space<hbm>>
    %dma_wait3A_136 = tpu.memref_squeeze %dma_wait3A_135 : memref<1x8x2048xf32, #tpu.memory_space<hbm>> -> memref<8x2048xf32, #tpu.memory_space<hbm>>
    %dma_wait3A_137 = arith.constant 0 : i32
    %dma_wait3A_138 = tpu.memref_slice %arg3[%squeeze3A, %add3A_37, %dma_wait3A_137] : memref<24x2048x2048xf32, #tpu.memory_space<hbm>> -> memref<1x8x2048xf32, #tpu.memory_space<hbm>>
    %dma_wait3A_139 = tpu.memref_squeeze %dma_wait3A_138 : memref<1x8x2048xf32, #tpu.memory_space<hbm>> -> memref<8x2048xf32, #tpu.memory_space<hbm>>
    tpu.wait_dma2 semaphore(%arg17 : memref<!tpu.dma_semaphore, #tpu.memory_space<semaphore_mem>>) src(%dma_wait3A_139 : memref<8x2048xf32, #tpu.memory_space<hbm>>) dst(%arg10 : memref<8x2048xf32, #tpu.memory_space<vmem>>)
    %add3A_140 = arith.constant 32 : i32
    %add3A_141 = arith.addi %mul3A_4, %add3A_140 : i32
    %dma_start3A_142 = arith.constant 0 : i32
    %dma_start3A_143 = arith.constant 0 : i32
    %dma_start3A_144 = tpu.memref_slice %arg4[%dma_start3A_142, %add3A_141, %dma_start3A_143] : memref<1x2048x2048xf32, #tpu.memory_space<hbm>> -> memref<1x8x2048xf32, #tpu.memory_space<hbm>>
    %dma_start3A_145 = tpu.memref_squeeze %dma_start3A_144 : memref<1x8x2048xf32, #tpu.memory_space<hbm>> -> memref<8x2048xf32, #tpu.memory_space<hbm>>
    %dma_start3A_146 = arith.constant 0 : i32
    %dma_start3A_147 = tpu.memref_slice %arg4[%dma_start3A_142, %add3A_141, %dma_start3A_146] : memref<1x2048x2048xf32, #tpu.memory_space<hbm>> -> memref<1x8x2048xf32, #tpu.memory_space<hbm>>
    %dma_start3A_148 = tpu.memref_squeeze %dma_start3A_147 : memref<1x8x2048xf32, #tpu.memory_space<hbm>> -> memref<8x2048xf32, #tpu.memory_space<hbm>>
    tpu.enqueue_dma source(%arg10 : memref<8x2048xf32, #tpu.memory_space<vmem>>) target(%dma_start3A_148 : memref<8x2048xf32, #tpu.memory_space<hbm>>) target_semaphore(%arg24 : memref<!tpu.dma_semaphore, #tpu.memory_space<semaphore_mem>>)
    %dma_wait3A_149 = arith.constant 0 : i32
    %dma_wait3A_150 = tpu.memref_slice %arg3[%squeeze3A, %add3A_45, %dma_wait3A_149] : memref<24x2048x2048xf32, #tpu.memory_space<hbm>> -> memref<1x8x2048xf32, #tpu.memory_space<hbm>>
    %dma_wait3A_151 = tpu.memref_squeeze %dma_wait3A_150 : memref<1x8x2048xf32, #tpu.memory_space<hbm>> -> memref<8x2048xf32, #tpu.memory_space<hbm>>
    %dma_wait3A_152 = arith.constant 0 : i32
    %dma_wait3A_153 = tpu.memref_slice %arg3[%squeeze3A, %add3A_45, %dma_wait3A_152] : memref<24x2048x2048xf32, #tpu.memory_space<hbm>> -> memref<1x8x2048xf32, #tpu.memory_space<hbm>>
    %dma_wait3A_154 = tpu.memref_squeeze %dma_wait3A_153 : memref<1x8x2048xf32, #tpu.memory_space<hbm>> -> memref<8x2048xf32, #tpu.memory_space<hbm>>
    tpu.wait_dma2 semaphore(%arg18 : memref<!tpu.dma_semaphore, #tpu.memory_space<semaphore_mem>>) src(%dma_wait3A_154 : memref<8x2048xf32, #tpu.memory_space<hbm>>) dst(%arg11 : memref<8x2048xf32, #tpu.memory_space<vmem>>)
    %add3A_155 = arith.constant 40 : i32
    %add3A_156 = arith.addi %mul3A_4, %add3A_155 : i32
    %dma_start3A_157 = arith.constant 0 : i32
    %dma_start3A_158 = arith.constant 0 : i32
    %dma_start3A_159 = tpu.memref_slice %arg4[%dma_start3A_157, %add3A_156, %dma_start3A_158] : memref<1x2048x2048xf32, #tpu.memory_space<hbm>> -> memref<1x8x2048xf32, #tpu.memory_space<hbm>>
    %dma_start3A_160 = tpu.memref_squeeze %dma_start3A_159 : memref<1x8x2048xf32, #tpu.memory_space<hbm>> -> memref<8x2048xf32, #tpu.memory_space<hbm>>
    %dma_start3A_161 = arith.constant 0 : i32
    %dma_start3A_162 = tpu.memref_slice %arg4[%dma_start3A_157, %add3A_156, %dma_start3A_161] : memref<1x2048x2048xf32, #tpu.memory_space<hbm>> -> memref<1x8x2048xf32, #tpu.memory_space<hbm>>
    %dma_start3A_163 = tpu.memref_squeeze %dma_start3A_162 : memref<1x8x2048xf32, #tpu.memory_space<hbm>> -> memref<8x2048xf32, #tpu.memory_space<hbm>>
    tpu.enqueue_dma source(%arg11 : memref<8x2048xf32, #tpu.memory_space<vmem>>) target(%dma_start3A_163 : memref<8x2048xf32, #tpu.memory_space<hbm>>) target_semaphore(%arg25 : memref<!tpu.dma_semaphore, #tpu.memory_space<semaphore_mem>>)
    %dma_wait3A_164 = arith.constant 0 : i32
    %dma_wait3A_165 = tpu.memref_slice %arg3[%squeeze3A, %add3A_53, %dma_wait3A_164] : memref<24x2048x2048xf32, #tpu.memory_space<hbm>> -> memref<1x8x2048xf32, #tpu.memory_space<hbm>>
    %dma_wait3A_166 = tpu.memref_squeeze %dma_wait3A_165 : memref<1x8x2048xf32, #tpu.memory_space<hbm>> -> memref<8x2048xf32, #tpu.memory_space<hbm>>
    %dma_wait3A_167 = arith.constant 0 : i32
    %dma_wait3A_168 = tpu.memref_slice %arg3[%squeeze3A, %add3A_53, %dma_wait3A_167] : memref<24x2048x2048xf32, #tpu.memory_space<hbm>> -> memref<1x8x2048xf32, #tpu.memory_space<hbm>>
    %dma_wait3A_169 = tpu.memref_squeeze %dma_wait3A_168 : memref<1x8x2048xf32, #tpu.memory_space<hbm>> -> memref<8x2048xf32, #tpu.memory_space<hbm>>
    tpu.wait_dma2 semaphore(%arg19 : memref<!tpu.dma_semaphore, #tpu.memory_space<semaphore_mem>>) src(%dma_wait3A_169 : memref<8x2048xf32, #tpu.memory_space<hbm>>) dst(%arg12 : memref<8x2048xf32, #tpu.memory_space<vmem>>)
    %add3A_170 = arith.constant 48 : i32
    %add3A_171 = arith.addi %mul3A_4, %add3A_170 : i32
    %dma_start3A_172 = arith.constant 0 : i32
    %dma_start3A_173 = arith.constant 0 : i32
    %dma_start3A_174 = tpu.memref_slice %arg4[%dma_start3A_172, %add3A_171, %dma_start3A_173] : memref<1x2048x2048xf32, #tpu.memory_space<hbm>> -> memref<1x8x2048xf32, #tpu.memory_space<hbm>>
    %dma_start3A_175 = tpu.memref_squeeze %dma_start3A_174 : memref<1x8x2048xf32, #tpu.memory_space<hbm>> -> memref<8x2048xf32, #tpu.memory_space<hbm>>
    %dma_start3A_176 = arith.constant 0 : i32
    %dma_start3A_177 = tpu.memref_slice %arg4[%dma_start3A_172, %add3A_171, %dma_start3A_176] : memref<1x2048x2048xf32, #tpu.memory_space<hbm>> -> memref<1x8x2048xf32, #tpu.memory_space<hbm>>
    %dma_start3A_178 = tpu.memref_squeeze %dma_start3A_177 : memref<1x8x2048xf32, #tpu.memory_space<hbm>> -> memref<8x2048xf32, #tpu.memory_space<hbm>>
    tpu.enqueue_dma source(%arg12 : memref<8x2048xf32, #tpu.memory_space<vmem>>) target(%dma_start3A_178 : memref<8x2048xf32, #tpu.memory_space<hbm>>) target_semaphore(%arg26 : memref<!tpu.dma_semaphore, #tpu.memory_space<semaphore_mem>>)
    %dma_wait3A_179 = arith.constant 0 : i32
    %dma_wait3A_180 = tpu.memref_slice %arg3[%squeeze3A, %add3A_82, %dma_wait3A_179] : memref<24x2048x2048xf32, #tpu.memory_space<hbm>> -> memref<1x8x2048xf32, #tpu.memory_space<hbm>>
    %dma_wait3A_181 = tpu.memref_squeeze %dma_wait3A_180 : memref<1x8x2048xf32, #tpu.memory_space<hbm>> -> memref<8x2048xf32, #tpu.memory_space<hbm>>
    %dma_wait3A_182 = arith.constant 0 : i32
    %dma_wait3A_183 = tpu.memref_slice %arg3[%squeeze3A, %add3A_82, %dma_wait3A_182] : memref<24x2048x2048xf32, #tpu.memory_space<hbm>> -> memref<1x8x2048xf32, #tpu.memory_space<hbm>>
    %dma_wait3A_184 = tpu.memref_squeeze %dma_wait3A_183 : memref<1x8x2048xf32, #tpu.memory_space<hbm>> -> memref<8x2048xf32, #tpu.memory_space<hbm>>
    tpu.wait_dma2 semaphore(%arg13 : memref<!tpu.dma_semaphore, #tpu.memory_space<semaphore_mem>>) src(%dma_wait3A_184 : memref<8x2048xf32, #tpu.memory_space<hbm>>) dst(%arg6 : memref<8x2048xf32, #tpu.memory_space<vmem>>)
    %add3A_185 = arith.constant 56 : i32
    %add3A_186 = arith.addi %mul3A_4, %add3A_185 : i32
    %dma_start3A_187 = arith.constant 0 : i32
    %dma_start3A_188 = arith.constant 0 : i32
    %dma_start3A_189 = tpu.memref_slice %arg4[%dma_start3A_187, %add3A_186, %dma_start3A_188] : memref<1x2048x2048xf32, #tpu.memory_space<hbm>> -> memref<1x8x2048xf32, #tpu.memory_space<hbm>>
    %dma_start3A_190 = tpu.memref_squeeze %dma_start3A_189 : memref<1x8x2048xf32, #tpu.memory_space<hbm>> -> memref<8x2048xf32, #tpu.memory_space<hbm>>
    %dma_start3A_191 = arith.constant 0 : i32
    %dma_start3A_192 = tpu.memref_slice %arg4[%dma_start3A_187, %add3A_186, %dma_start3A_191] : memref<1x2048x2048xf32, #tpu.memory_space<hbm>> -> memref<1x8x2048xf32, #tpu.memory_space<hbm>>
    %dma_start3A_193 = tpu.memref_squeeze %dma_start3A_192 : memref<1x8x2048xf32, #tpu.memory_space<hbm>> -> memref<8x2048xf32, #tpu.memory_space<hbm>>
    tpu.enqueue_dma source(%arg6 : memref<8x2048xf32, #tpu.memory_space<vmem>>) target(%dma_start3A_193 : memref<8x2048xf32, #tpu.memory_space<hbm>>) target_semaphore(%arg20 : memref<!tpu.dma_semaphore, #tpu.memory_space<semaphore_mem>>)
    %dma_wait3A_194 = arith.constant 0 : i32
    %dma_wait3A_195 = arith.constant 0 : i32
    %dma_wait3A_196 = tpu.memref_slice %arg4[%dma_wait3A_194, %add3A_96, %dma_wait3A_195] : memref<1x2048x2048xf32, #tpu.memory_space<hbm>> -> memref<1x8x2048xf32, #tpu.memory_space<hbm>>
    %dma_wait3A_197 = tpu.memref_squeeze %dma_wait3A_196 : memref<1x8x2048xf32, #tpu.memory_space<hbm>> -> memref<8x2048xf32, #tpu.memory_space<hbm>>
    %dma_wait3A_198 = arith.constant 0 : i32
    %dma_wait3A_199 = tpu.memref_slice %arg4[%dma_wait3A_194, %add3A_96, %dma_wait3A_198] : memref<1x2048x2048xf32, #tpu.memory_space<hbm>> -> memref<1x8x2048xf32, #tpu.memory_space<hbm>>
    %dma_wait3A_200 = tpu.memref_squeeze %dma_wait3A_199 : memref<1x8x2048xf32, #tpu.memory_space<hbm>> -> memref<8x2048xf32, #tpu.memory_space<hbm>>
    tpu.wait_dma2 semaphore(%arg21 : memref<!tpu.dma_semaphore, #tpu.memory_space<semaphore_mem>>) src(%arg7 : memref<8x2048xf32, #tpu.memory_space<vmem>>) dst(%dma_wait3A_200 : memref<8x2048xf32, #tpu.memory_space<hbm>>)
    %dma_wait3A_201 = arith.constant 0 : i32
    %dma_wait3A_202 = arith.constant 0 : i32
    %dma_wait3A_203 = tpu.memref_slice %arg4[%dma_wait3A_201, %add3A_111, %dma_wait3A_202] : memref<1x2048x2048xf32, #tpu.memory_space<hbm>> -> memref<1x8x2048xf32, #tpu.memory_space<hbm>>
    %dma_wait3A_204 = tpu.memref_squeeze %dma_wait3A_203 : memref<1x8x2048xf32, #tpu.memory_space<hbm>> -> memref<8x2048xf32, #tpu.memory_space<hbm>>
    %dma_wait3A_205 = arith.constant 0 : i32
    %dma_wait3A_206 = tpu.memref_slice %arg4[%dma_wait3A_201, %add3A_111, %dma_wait3A_205] : memref<1x2048x2048xf32, #tpu.memory_space<hbm>> -> memref<1x8x2048xf32, #tpu.memory_space<hbm>>
    %dma_wait3A_207 = tpu.memref_squeeze %dma_wait3A_206 : memref<1x8x2048xf32, #tpu.memory_space<hbm>> -> memref<8x2048xf32, #tpu.memory_space<hbm>>
    tpu.wait_dma2 semaphore(%arg22 : memref<!tpu.dma_semaphore, #tpu.memory_space<semaphore_mem>>) src(%arg8 : memref<8x2048xf32, #tpu.memory_space<vmem>>) dst(%dma_wait3A_207 : memref<8x2048xf32, #tpu.memory_space<hbm>>)
    %dma_wait3A_208 = arith.constant 0 : i32
    %dma_wait3A_209 = arith.constant 0 : i32
    %dma_wait3A_210 = tpu.memref_slice %arg4[%dma_wait3A_208, %add3A_126, %dma_wait3A_209] : memref<1x2048x2048xf32, #tpu.memory_space<hbm>> -> memref<1x8x2048xf32, #tpu.memory_space<hbm>>
    %dma_wait3A_211 = tpu.memref_squeeze %dma_wait3A_210 : memref<1x8x2048xf32, #tpu.memory_space<hbm>> -> memref<8x2048xf32, #tpu.memory_space<hbm>>
    %dma_wait3A_212 = arith.constant 0 : i32
    %dma_wait3A_213 = tpu.memref_slice %arg4[%dma_wait3A_208, %add3A_126, %dma_wait3A_212] : memref<1x2048x2048xf32, #tpu.memory_space<hbm>> -> memref<1x8x2048xf32, #tpu.memory_space<hbm>>
    %dma_wait3A_214 = tpu.memref_squeeze %dma_wait3A_213 : memref<1x8x2048xf32, #tpu.memory_space<hbm>> -> memref<8x2048xf32, #tpu.memory_space<hbm>>
    tpu.wait_dma2 semaphore(%arg23 : memref<!tpu.dma_semaphore, #tpu.memory_space<semaphore_mem>>) src(%arg9 : memref<8x2048xf32, #tpu.memory_space<vmem>>) dst(%dma_wait3A_214 : memref<8x2048xf32, #tpu.memory_space<hbm>>)
    %dma_wait3A_215 = arith.constant 0 : i32
    %dma_wait3A_216 = arith.constant 0 : i32
    %dma_wait3A_217 = tpu.memref_slice %arg4[%dma_wait3A_215, %add3A_141, %dma_wait3A_216] : memref<1x2048x2048xf32, #tpu.memory_space<hbm>> -> memref<1x8x2048xf32, #tpu.memory_space<hbm>>
    %dma_wait3A_218 = tpu.memref_squeeze %dma_wait3A_217 : memref<1x8x2048xf32, #tpu.memory_space<hbm>> -> memref<8x2048xf32, #tpu.memory_space<hbm>>
    %dma_wait3A_219 = arith.constant 0 : i32
    %dma_wait3A_220 = tpu.memref_slice %arg4[%dma_wait3A_215, %add3A_141, %dma_wait3A_219] : memref<1x2048x2048xf32, #tpu.memory_space<hbm>> -> memref<1x8x2048xf32, #tpu.memory_space<hbm>>
    %dma_wait3A_221 = tpu.memref_squeeze %dma_wait3A_220 : memref<1x8x2048xf32, #tpu.memory_space<hbm>> -> memref<8x2048xf32, #tpu.memory_space<hbm>>
    tpu.wait_dma2 semaphore(%arg24 : memref<!tpu.dma_semaphore, #tpu.memory_space<semaphore_mem>>) src(%arg10 : memref<8x2048xf32, #tpu.memory_space<vmem>>) dst(%dma_wait3A_221 : memref<8x2048xf32, #tpu.memory_space<hbm>>)
    %dma_wait3A_222 = arith.constant 0 : i32
    %dma_wait3A_223 = arith.constant 0 : i32
    %dma_wait3A_224 = tpu.memref_slice %arg4[%dma_wait3A_222, %add3A_156, %dma_wait3A_223] : memref<1x2048x2048xf32, #tpu.memory_space<hbm>> -> memref<1x8x2048xf32, #tpu.memory_space<hbm>>
    %dma_wait3A_225 = tpu.memref_squeeze %dma_wait3A_224 : memref<1x8x2048xf32, #tpu.memory_space<hbm>> -> memref<8x2048xf32, #tpu.memory_space<hbm>>
    %dma_wait3A_226 = arith.constant 0 : i32
    %dma_wait3A_227 = tpu.memref_slice %arg4[%dma_wait3A_222, %add3A_156, %dma_wait3A_226] : memref<1x2048x2048xf32, #tpu.memory_space<hbm>> -> memref<1x8x2048xf32, #tpu.memory_space<hbm>>
    %dma_wait3A_228 = tpu.memref_squeeze %dma_wait3A_227 : memref<1x8x2048xf32, #tpu.memory_space<hbm>> -> memref<8x2048xf32, #tpu.memory_space<hbm>>
    tpu.wait_dma2 semaphore(%arg25 : memref<!tpu.dma_semaphore, #tpu.memory_space<semaphore_mem>>) src(%arg11 : memref<8x2048xf32, #tpu.memory_space<vmem>>) dst(%dma_wait3A_228 : memref<8x2048xf32, #tpu.memory_space<hbm>>)
    %dma_wait3A_229 = arith.constant 0 : i32
    %dma_wait3A_230 = arith.constant 0 : i32
    %dma_wait3A_231 = tpu.memref_slice %arg4[%dma_wait3A_229, %add3A_171, %dma_wait3A_230] : memref<1x2048x2048xf32, #tpu.memory_space<hbm>> -> memref<1x8x2048xf32, #tpu.memory_space<hbm>>
    %dma_wait3A_232 = tpu.memref_squeeze %dma_wait3A_231 : memref<1x8x2048xf32, #tpu.memory_space<hbm>> -> memref<8x2048xf32, #tpu.memory_space<hbm>>
    %dma_wait3A_233 = arith.constant 0 : i32
    %dma_wait3A_234 = tpu.memref_slice %arg4[%dma_wait3A_229, %add3A_171, %dma_wait3A_233] : memref<1x2048x2048xf32, #tpu.memory_space<hbm>> -> memref<1x8x2048xf32, #tpu.memory_space<hbm>>
    %dma_wait3A_235 = tpu.memref_squeeze %dma_wait3A_234 : memref<1x8x2048xf32, #tpu.memory_space<hbm>> -> memref<8x2048xf32, #tpu.memory_space<hbm>>
    tpu.wait_dma2 semaphore(%arg26 : memref<!tpu.dma_semaphore, #tpu.memory_space<semaphore_mem>>) src(%arg12 : memref<8x2048xf32, #tpu.memory_space<vmem>>) dst(%dma_wait3A_235 : memref<8x2048xf32, #tpu.memory_space<hbm>>)
    %dma_wait3A_236 = arith.constant 0 : i32
    %dma_wait3A_237 = arith.constant 0 : i32
    %dma_wait3A_238 = tpu.memref_slice %arg4[%dma_wait3A_236, %add3A_186, %dma_wait3A_237] : memref<1x2048x2048xf32, #tpu.memory_space<hbm>> -> memref<1x8x2048xf32, #tpu.memory_space<hbm>>
    %dma_wait3A_239 = tpu.memref_squeeze %dma_wait3A_238 : memref<1x8x2048xf32, #tpu.memory_space<hbm>> -> memref<8x2048xf32, #tpu.memory_space<hbm>>
    %dma_wait3A_240 = arith.constant 0 : i32
    %dma_wait3A_241 = tpu.memref_slice %arg4[%dma_wait3A_236, %add3A_186, %dma_wait3A_240] : memref<1x2048x2048xf32, #tpu.memory_space<hbm>> -> memref<1x8x2048xf32, #tpu.memory_space<hbm>>
    %dma_wait3A_242 = tpu.memref_squeeze %dma_wait3A_241 : memref<1x8x2048xf32, #tpu.memory_space<hbm>> -> memref<8x2048xf32, #tpu.memory_space<hbm>>
    tpu.wait_dma2 semaphore(%arg20 : memref<!tpu.dma_semaphore, #tpu.memory_space<semaphore_mem>>) src(%arg6 : memref<8x2048xf32, #tpu.memory_space<vmem>>) dst(%dma_wait3A_242 : memref<8x2048xf32, #tpu.memory_space<hbm>>)
    return
  }
}

</mosaic_0001>

<sc_bundles>
// kernel: kernel.3.cloned.1.call-start
scs
__scs_entry_jumppad:
0x0: {  	(pc) =	sbr.rel $0x88, $3  }
0x1: {  	(tag) =	ssettag $0x0;
	lr =	simm.s32 $0x1  }
0x2: {  	[smem:$0x3F9F] =	sst lr;
	_ =	strace $0xD0000000  }
0x3: {  	_ = 	snop  }
0x4: {  	_ = 	snop  }
0x5: {  	_ = 	snop  }
0x6: {  	_ = 	snop  }
0x7: {  	_ = 	snop  }
__scs_overlays_trampoline_lowered:
0x8: {  	[smem:$0x3FAE] =	sst s0  }
0x9: {  	[smem:$0x3FAF] =	sst s1  }
0xa: {  	[smem:$0x3FB0] =	sst s2  }
0xb: {  	[smem:$0x3FB1] =	sst s3  }
0xc: {  	[smem:$0x3FB2] =	sst s4  }
0xd: {  	[smem:$0x3FB3] =	sst s5  }
0xe: {  	[smem:$0x3FB4] =	sst s6  }
0xf: {  	[smem:$0x3FB5] =	sst s7  }
0x10: {  	[smem:$0x3FB6] =	sst s8  }
0x11: {  	[smem:$0x3FB7] =	sst s9;
	s0 =	simm.s32 @!p0 $0x0  }
0x12: {  	s1 =	sld [smem:$0x3F9D];
	s0 =	simm.s32 @p0 $0x1  }
0x13: {  	[smem:$0x3FB8] =	sst s0;
	s0 =	simm.s32 @!p1 $0x0  }
0x14: {  	s2 =	sld [smem:$0x3F9C];
	s0 =	simm.s32 @p1 $0x1  }
0x15: {  	[smem:$0x3FB9] =	sst s0;
	s0 =	simm.s32 @!p2 $0x0  }
0x16: {  	s3 =	sld [smem:$0x3FDB];
	s0 =	simm.s32 @p2 $0x1  }
0x17: {  	s4 =	simm.s32 $0x1BF5;
	[smem:$0x3FBB] =	sst s0  }
0x18: {  	s0 =	sld [smem:$0x3F9E];
	_ =	swait.ge [sflag:s4], $0x0  }
0x19: {  	s7 =	sld [smem:$0x3F9F]  }
0x1a: {  	s8 =	sadd.s32 $0xFFFFE003, lr  }
0x1b: {  	s9 =	sadd.s32 $0xFFFFFEF7, lr;
	s5 =	simm.s32 $0xFFFFFFFF;
	p2 =	slt.u32 s8, $0xFFFFF086  }
0x1c: {  	p1 =	slt.u32 s9, $0xF7A;
	s5 =	simm.s32 @!p2 $0x0  }
0x1d: {  	s5 =	simm.s32 @p1 $0x1;
	p0 =	seq.s32 s7, s2  }
0x1e: {  	s7 =	smul.u32 @!p0 $0xF7A, s2;
	p2 =	seq.s32 @!p0 s5, $0x0  }
0x1f: {  	s9 =	smul.u32 $0xF7A, s1;
	s8 =	simm.s32 @!p0 $0x1BF5;
	p2 =	por !p2, p0  }
0x20: {  	[sflag:s8] =	ssyncset.s32 @!p0 $0xFFFFF086;
	s6 =	sadd.s32 @!p0 s3, s7;
	s7 =	simm.s32 @!p0 $0x108  }
0x21: {  	s3 =	sadd.s32 s3, s9;
	s6 =	sadd.s32 @!p0 $0x88, s6;
	s7 =	simm.s32 @p2 $0x1082  }
0x22: {  	[simem:s7], [sflag:s8] =	dma.local @!p0 [hbm:s6], $0xF7A  }
0x23: {  	s9 =	sor.u32 $0xD0000000, s2;
	s6 =	simm.s32 $0x108;
	_ =	swait.ge @!p0 [sflag:s8], $0x0  }
0x24: {  	s3 =	sadd.s32 $0x88, s3;
	s6 =	simm.s32 @!p1 $0x1082;
	[sflag:s4] =	ssyncset.s32 $0xFFFFF086  }
0x25: {  	[simem:s6], [sflag:s4] =	dma.local [hbm:s3], $0xF7A  }
0x26: {  	[smem:$0x3F9F] =	sst s1;
	(tag) =	ssettag s2;
	_ =	strace s9  }
0x27: {  	s1 =	sld [smem:$0x3FAF]  }
0x28: {  	s2 =	sld [smem:$0x3FB0]  }
0x29: {  	s4 =	sld [smem:$0x3FB2]  }
0x2a: {  	p0 =	seq.s32 s5, $0x0;
	s5 =	sld [smem:$0x3FB3]  }
0x2b: {  	s6 =	sld [smem:$0x3FB4]  }
0x2c: {  	s7 =	sld [smem:$0x3FB5]  }
0x2d: {  	s3 =	simm.s32 $0x108;
	s8 =	sld [smem:$0x3FB6]  }
0x2e: {  	s3 =	simm.s32 @!p0 $0x1082;
	s9 =	sld [smem:$0x3FB7]  }
0x2f: {  	lr =	sadd.s32 s0, s3;
	s0 =	sld [smem:$0x3FAE]  }
0x30: {  	s3 =	sld [smem:$0x3FB1]  }
0x31: {  	[smem:$0x3FBA] =	sst s10  }
0x32: {  	s10 =	sld [smem:$0x3FB8];
	_ =	sdelay $0x3  }
0x33: {  	p0 =	seq.s32 s10, $0x1;
	s10 =	sld [smem:$0x3FBA];
	_ =	sdelay $0x3  }
0x34: {  	[smem:$0x3FBA] =	sst s10  }
0x35: {  	s10 =	sld [smem:$0x3FB9];
	_ =	sdelay $0x3  }
0x36: {  	p1 =	seq.s32 s10, $0x1;
	s10 =	sld [smem:$0x3FBA];
	_ =	sdelay $0x3  }
0x37: {  	[smem:$0x3FBA] =	sst s10  }
0x38: {  	s10 =	sld [smem:$0x3FBB]  }
0x39: {  	_ = 	snop;
	(pc) =	sbr.ind lr, $3  }
0x3a: {  	_ = 	snop  }
0x3b: {  	_ = 	snop  }
0x3c: {  	p2 =	seq.s32 s10, $0x1;
	s10 =	sld [smem:$0x3FBA]  }
0x3d: {  	_ =	shalt  }
0x3e: {  	_ =	shalt  }
0x3f: {  	_ =	shalt  }
0x40: {  	_ =	shalt  }
0x41: {  	_ =	shalt  }
0x42: {  	_ =	shalt  }
0x43: {  	_ =	shalt  }
0x44: {  	_ =	shalt  }
0x45: {  	_ =	shalt  }
0x46: {  	_ =	shalt  }
0x47: {  	_ =	shalt  }
0x48: {  	_ =	shalt  }
0x49: {  	_ =	shalt  }
0x4a: {  	_ =	shalt  }
0x4b: {  	_ =	shalt  }
0x4c: {  	_ =	shalt  }
0x4d: {  	_ =	shalt  }
0x4e: {  	_ =	shalt  }
0x4f: {  	_ =	shalt  }
0x50: {  	_ =	shalt  }
0x51: {  	_ =	shalt  }
0x52: {  	_ =	shalt  }
0x53: {  	_ =	shalt  }
0x54: {  	_ =	shalt  }
0x55: {  	_ =	shalt  }
0x56: {  	_ =	shalt  }
0x57: {  	_ =	shalt  }
0x58: {  	_ =	shalt  }
0x59: {  	_ =	shalt  }
0x5a: {  	_ =	shalt  }
0x5b: {  	_ =	shalt  }
0x5c: {  	_ =	shalt  }
0x5d: {  	_ =	shalt  }
0x5e: {  	_ =	shalt  }
0x5f: {  	_ =	shalt  }
0x60: {  	_ =	shalt  }
0x61: {  	_ =	shalt  }
0x62: {  	_ =	shalt  }
0x63: {  	_ =	shalt  }
0x64: {  	_ =	shalt  }
0x65: {  	_ =	shalt  }
0x66: {  	_ =	shalt  }
0x67: {  	_ =	shalt  }
0x68: {  	_ =	shalt  }
0x69: {  	_ =	shalt  }
0x6a: {  	_ =	shalt  }
0x6b: {  	_ =	shalt  }
0x6c: {  	_ =	shalt  }
0x6d: {  	_ =	shalt  }
0x6e: {  	_ =	shalt  }
0x6f: {  	_ =	shalt  }
0x70: {  	_ =	shalt  }
0x71: {  	_ =	shalt  }
0x72: {  	_ =	shalt  }
0x73: {  	_ =	shalt  }
0x74: {  	_ =	shalt  }
0x75: {  	_ =	shalt  }
0x76: {  	_ =	shalt  }
0x77: {  	_ =	shalt  }
0x78: {  	_ =	shalt  }
0x79: {  	_ =	shalt  }
0x7a: {  	_ =	shalt  }
0x7b: {  	_ =	shalt  }
0x7c: {  	_ =	shalt  }
0x7d: {  	_ =	shalt  }
0x7e: {  	_ =	shalt  }
0x7f: {  	_ =	shalt  }
0x80: {  	_ =	shalt  }
0x81: {  	_ =	shalt  }
0x82: {  	_ =	shalt  }
0x83: {  	_ =	shalt  }
0x84: {  	_ =	shalt  }
0x85: {  	_ =	shalt  }
0x86: {  	_ =	shalt  }
0x87: {  	_ =	shalt  }
.Lfunc_end0:
.L_simem_size_0:
called_computation_lowered:
.L_overlay_start_0:
0x88: {  	s2 =	sld [smem:$0x3FD9]  }
0x89: {  	s3 =	sld [smem:$0x3FFE];
	_ =	sdelay $0x1  }
0x8a: {  	s1 =	srdreg.scid  }
0x8b: {  	s0 =	sand.u32 $0x1, s1  }
0x8c: {  	s17 =	sshll.u32 s0, $0xA;
	s2 =	sadd.s32 s3, s2  }
0x8d: {  	s2 =	sadd.s32 s2, s17  }
0x8e: {  	[smem:$0x3FC6] =	sst s2  }
0x8f: {  	_ = 	snop  }
0x90: {  	s2 =	sld [smem:$0x3FC9]  }
0x91: {  	s18 =	sld [smem:$0x3FD0];
	(tm) =	ssettm $0x1  }
0x92: {  	s4 =	sld [smem:$0x3FFB];
	_ =	sdelay $0x3  }
0x93: {  	_ =	strace s4  }
0x94: {  	s4 =	sld [smem:$0x3FFC];
	_ =	sdelay $0x3  }
0x95: {  	_ =	strace s4  }
0x96: {  	s4 =	sld [smem:$0x3FFD];
	_ =	sdelay $0x3  }
0x97: {  	_ =	strace s4  }
0x98: {  	_ =	strace $0x8FFFFFFF  }
0x99: {  	s19 =	sld [smem:$0x3FDB];
	_ =	sdelay $0x1  }
0x9a: {  	s5 =	simm.s32 $_scs_section_size  }
0x9b: {  	s6 =	simm.s32 $_size__tile_overlayer_lowered;
	s7 =	simm.s32 $_tile_overlayer_lowered  }
0x9c: {  	s22 =	simm.s32 $0x1BFF;
	s21 =	sshll.u32 s7, $0x1;
	s4 =	sadd.s32 s5, s19  }
0x9d: {  	s8 =	simm.s32 $0x0;
	s20 =	sshll.u32 s6, $0x1;
	s6 =	sadd.s32 s21, s4  }
0x9e: {  	[timem:s8], [sflag:s22] =	dma.local [hbm:s6], s20  }
0x9f: {  	_ =	swait.ge [sflag:s22], s20  }
0xa0: {  	s5 =	ssub.s32 $0x0, s20;
	[sflag:s22] =	ssyncset.done $0x0  }
0xa1: {  	[sflag:s22] =	ssyncadd.s32 s5;
	_ =	sdelay $0x1  }
0xa2: {  	s23 =	simm.s32 $0x1B8B  }
0xa3: {  	_ =	swait.ge [sflag:s23], $0x1  }
0xa4: {  	[sflag:s23] =	ssyncset.done $0x0  }
0xa5: {  	s25 =	simm.s32 $0x1B8E;
	s24 =	sld [smem:$0x3FFE];
	[sflag:s23] =	ssyncadd.s32 $0xFFFFFFFF  }
0xa6: {  	s26 =	simm.s32 $execute0_lowered;
	[smem:$0x3FD2] =	sst s25  }
0xa7: {  	s6 =	sshll.u32 s26, $0x1;
	_ =	strace $0x80000046;
	[dreg:$0x1] =	wrdreg $0xFFFFFFFF  }
0xa8: {  	s28 =	simm.s32 $_size_execute0_lowered;
	s4 =	sadd.s32 s4, s6;
	[dreg:$0x0] =	wrdreg $0x0  }
0xa9: {  	s6 =	sshll.u32 s28, $0x1;
	[dreg:$0x2] =	wrdreg s4  }
0xaa: {  	[dreg:$0x3] =	wrdreg s6  }
0xab: {  	[dreg:$0x4] =	wrdreg $0xC0  }
0xac: {  	_ =	task [dreg:s8], $0x5FFFF  }
0xad: {  	[dreg:$0x1] =	wrdreg $0xFFFFFFFF  }
0xae: {  	[dreg:$0x0] =	wrdreg $0x60  }
0xaf: {  	[dreg:$0x2] =	wrdreg s24  }
0xb0: {  	[dreg:$0x3] =	wrdreg s2  }
0xb1: {  	[dreg:$0x4] =	wrdreg s18  }
0xb2: {  	[dreg:$0x5] =	wrdreg $0x9  }
0xb3: {  	_ =	task.clear_ibuf [dreg:s8], $0x6FFFF;
	_ =	strace $0x90000046  }
0xb4: {  	s29 =	simm.s32 $0x9;
	_ =	strace $0x80000048  }
0xb5: {  	_ =	swait.ge [sflag:s29], $0x1  }
0xb6: {  	[sflag:s29] =	ssyncadd.s32 $0xFFFFFFFF  }
0xb7: {  	_ =	strace $0x90000048  }
0xb8: {  	_ =	sfence  }
0xb9: {  	s30 =	sld [smem:$0x0];
	_ =	sdelay $0x2  }
0xba: {  	s31 =	sshll.u32 s1, $0xD;
	s1 =	sshrl.u32 s1, $0x2  }
0xbb: {  	s3 =	sand.u32 $0x4000, s31;
	s1 =	sadd.s32 s1, s30  }
0xbc: {  	s0 =	sor.u32 s3, s0;
	s1 =	sshll.u32 s1, $0x11  }
0xbd: {  	s0 =	sor.u32 s1, s0  }
0xbe: {  	s0 =	sadd.s32 $0x8F2B, s0  }
0xbf: {  	[sflag:s0] =	ssyncadd.remote.s32 $0x1  }
0xc0: {  	_ =	sfence.sel $0xFFFF  }
0xc1: {  	[dreg:$0x0] =	wrdreg $0xFFFFFFFF;
	(pc) =	sbr.abs _section_cstart, $3  }
0xc2: {  	[dreg:$0x1] =	wrdreg $0xFFFFFFFF  }
0xc3: {  	_ =	task.clear_ibuf [dreg:s8], $0x2FFFF;
	_ =	strace $0x9FFFFFFF  }
0xc4: {  	(tm) =	ssettm $0x7FFFFFFF  }
0xc5: {  	_ =	shalt  }
tec
execute0_lowered:
.L_overlay_start_1:
0x0: {  	(tag) =	ssettag $0x1  }
0x1: {  	s0 =	rddreg [dreg:$0x0]  }
0x2: {  	s3 =	rddreg [dreg:$0x1]  }
0x3: {  	s1 =	rddreg [dreg:$0x2]  }
0x4: {  	s2 =	srdreg.scid;
	s5 =	stileid.u32;
	s29 =	simm.s32 $0x4  }
0x5: {  	p0 =	por $0x0, $0x0;
	s4 =	sand.u32 $0x1, s2;
	s2 =	simm.s32 $0x0  }
0x6: {  	s5 =	sshll.u32 s5, $0x7;
	s0 =	sadd.s32 $0x400, s0;
	s6 =	sshll.u32 s4, $0x6  }
0x7: {  	[smem:$0x7FF] =	sst s2;
	s10 =	ssub.s32 $0x2, s4;
	s5 =	sor.u32 s6, s5  }
0x8: {  	_ =	strace $0x80000047;
	[dreg:$0x4] =	wrdreg s0;
	s31 =	sshrl.u32 s10, $0x1  }
0x9: {  	s16 =	sshll.u32 s5, $0xB;
	s11 =	sshll.u32 s5, $0x8;
	s0 =	ssub.s32 s10, s31  }
0xa: {  	s10 =	simm.s32 $0xF;
	s5 =	simm.s32 $0x80;
	s28 =	sor.u32 $0x4000, s16  }
0xb: {  	s30 =	sor.u32 $0x8000, s16;
	s9 =	sor.u32 $0xC000, s16;
	s8 =	sor.u32 $0x10000, s16  }
0xc: {  	s7 =	sor.u32 $0x14000, s16;
	s4 =	sadd.s32 s1, s11;
	s12 =	sor.u32 $0x18000, s16  }
0xd: {  	s22 =	sor.u32 $0x1C000, s16;
	s6 =	smax.u32 s0, $0x1;
	[dreg:$0x5] =	wrdreg s4  }
0xe: {  	s0 =	simm.s32 $0x3;
	s11 =	simm.s32 $0xB;
	[dreg:$0x10] =	wrdreg s9  }
0xf: {  	s13 =	sshrl.u32 s28, $0x3;
	s14 =	sshrl.u32 s30, $0x3;
	[dreg:$0xf] =	wrdreg s8  }
0x10: {  	s17 =	sshrl.u32 s9, $0x3;
	s19 =	sshrl.u32 s8, $0x3;
	[dreg:$0xe] =	wrdreg s7  }
0x11: {  	s21 =	sshrl.u32 s7, $0x3;
	[dreg:$0xd] =	wrdreg s12;
	s24 =	sshrl.u32 s12, $0x3  }
0x12: {  	s26 =	sshrl.u32 s22, $0x3;
	s8 =	simm.s32 $0x1;
	p1 =	sne.s32 s6, $0x1  }
0x13: {  	s6 =	sadd.s32 $0xFFFFFFFF, s6;
	s12 =	simm.s32 $0xA;
	s4 =	sadd.s32 s1, s13  }
0x14: {  	s9 =	simm.s32 $0xC;
	s15 =	sadd.s32 s1, s14;
	[dreg:$0x6] =	wrdreg s4  }
0x15: {  	s7 =	simm.s32 $0xD;
	s18 =	sadd.s32 s1, s17;
	[dreg:$0x7] =	wrdreg s15  }
0x16: {  	s20 =	sadd.s32 s1, s19;
	s23 =	sadd.s32 s1, s21;
	[dreg:$0x8] =	wrdreg s18  }
0x17: {  	s25 =	sadd.s32 s1, s24;
	s1 =	sadd.s32 s1, s26;
	[dreg:$0x9] =	wrdreg s20  }
.Ltmp0:
0x18: {  	s21 =	simm.s32 $0x10080;
	[dreg:$0xa] =	wrdreg s23;
	(pc) =	sbr.rel @!p1 .LBB2_1-.Ltmp0, $4  }
0x19: {  	s26 =	simm.s32 $0x5;
	s19 =	simm.s32 $0x7;
	[dreg:$0xb] =	wrdreg s25  }
0x1a: {  	s14 =	simm.s32 $0x9;
	s24 =	simm.s32 $0xE;
	[dreg:$0xc] =	wrdreg s1  }
0x1b: {  	s20 =	simm.s32 $0x14080;
	s18 =	simm.s32 $0x18080;
	s4 =	simm.s32 $0x8  }
0x1c: {  	s1 =	simm.s32 $0x2;
	s23 =	simm.s32 $0x6;
	s15 =	rddreg [dreg:$0x4]  }
0x1d: {  	[tilespmem:s2], [sflag:$0xF] =	stream.linear.gather [hbm4b:s15+s2], $0x8, $0x38;
	[tilespmem:$0x1C080] =	vst v63  }
0x1e: {  	_ =	swait.ge [sflag:s10], $0x8  }
0x1f: {  	[sflag:s10] =	ssyncset.done $0x0  }
0x20: {  	[sflag:s10] =	ssyncadd.s32 $0xFFFFFFF8  }
0x21: {  	v0 =	vld [tilespmem:$0x0];
	_ =	sdelay $0x4  }
0x22: {  	(v2sf) =	vpush v0, $0x0;
	_ =	sdelay $0xe  }
0x23: {  	s17 =	spop (v2sf)  }
0x24: {  	s15 =	sshll.u32 s17, $0x16  }
0x25: {  	s13 =	sor.u32 s16, s15  }
0x26: {  	s13 =	sshrl.u32 s13, $0x3  }
0x27: {  	s25 =	sor.u32 s28, s15;
	s13 =	sadd.s32 s3, s13  }
0x28: {  	[tilespmem:s5], [sflag:$0x1] =	stream.linear.gather [hbm4b:s13+s2], $0x4000, $0x38;
	[tilespmem:$0x1C080] =	vst v63  }
0x29: {  	s13 =	sshrl.u32 s25, $0x3  }
0x2a: {  	s31 =	sor.u32 s30, s15;
	s25 =	simm.s32 $0x4080;
	s13 =	sadd.s32 s3, s13  }
0x2b: {  	[tilespmem:s25], [sflag:$0x2] =	stream.linear.gather [hbm4b:s13+s2], $0x4000, $0x38;
	[tilespmem:$0x1C080] =	vst v63  }
0x2c: {  	[dreg:$0x11] =	wrdreg s16;
	s13 =	sshrl.u32 s31, $0x3  }
0x2d: {  	s17 =	simm.s32 $0x8080;
	s16 =	rddreg [dreg:$0x10];
	s13 =	sadd.s32 s3, s13  }
0x2e: {  	[tilespmem:s17], [sflag:$0x3] =	stream.linear.gather [hbm4b:s13+s2], $0x4000, $0x38;
	[tilespmem:$0x1C080] =	vst v63  }
0x2f: {  	s13 =	sor.u32 s16, s15  }
0x30: {  	s13 =	sshrl.u32 s13, $0x3  }
0x31: {  	s31 =	rddreg [dreg:$0xf];
	s16 =	simm.s32 $0xC080;
	s13 =	sadd.s32 s3, s13  }
0x32: {  	[tilespmem:s16], [sflag:$0x4] =	stream.linear.gather [hbm4b:s13+s2], $0x4000, $0x38;
	[tilespmem:$0x1C080] =	vst v63  }
0x33: {  	s13 =	sor.u32 s31, s15  }
0x34: {  	s13 =	sshrl.u32 s13, $0x3  }
0x35: {  	s31 =	rddreg [dreg:$0xe];
	s13 =	sadd.s32 s3, s13  }
0x36: {  	[tilespmem:s21], [sflag:$0x5] =	stream.linear.gather [hbm4b:s13+s2], $0x4000, $0x38;
	[tilespmem:$0x1C080] =	vst v63  }
0x37: {  	s13 =	sor.u32 s31, s15  }
0x38: {  	s13 =	sshrl.u32 s13, $0x3  }
0x39: {  	s31 =	rddreg [dreg:$0xd];
	s13 =	sadd.s32 s3, s13  }
0x3a: {  	[tilespmem:s20], [sflag:$0x6] =	stream.linear.gather [hbm4b:s13+s2], $0x4000, $0x38;
	[tilespmem:$0x1C080] =	vst v63  }
0x3b: {  	s13 =	sor.u32 s31, s15  }
0x3c: {  	s13 =	sshrl.u32 s13, $0x3  }
0x3d: {  	s13 =	sadd.s32 s3, s13  }
0x3e: {  	[tilespmem:s18], [sflag:$0x7] =	stream.linear.gather [hbm4b:s13+s2], $0x4000, $0x38;
	[tilespmem:$0x1C080] =	vst v63  }
0x3f: {  	_ =	swait.ge [sflag:s8], $0x4000  }
0x40: {  	[sflag:s8] =	ssyncset.done $0x0  }
0x41: {  	s31 =	rddreg [dreg:$0x5];
	[sflag:s8] =	ssyncadd.s32 $0xFFFFC000  }
0x42: {  	[hbm4b:s31+s2] =	stream.linear.scatter [tilespmem:s5], [sflag:$0x8], $0x4000, $0x38;
	[tilespmem:$0x1C080] =	vst v63  }
0x43: {  	s31 =	sor.u32 s22, s15;
	_ =	swait.ge [sflag:s4], $0x4000  }
0x44: {  	s13 =	sshrl.u32 s31, $0x3;
	[sflag:s4] =	ssyncset.done $0x0  }
0x45: {  	s13 =	sadd.s32 s3, s13;
	[sflag:s4] =	ssyncadd.s32 $0xFFFFC000  }
0x46: {  	[tilespmem:s5], [sflag:$0x1] =	stream.linear.gather [hbm4b:s13+s2], $0x4000, $0x38;
	[tilespmem:$0x1C080] =	vst v63  }
0x47: {  	_ =	swait.ge [sflag:s1], $0x4000  }
0x48: {  	[sflag:s1] =	ssyncset.done $0x0  }
0x49: {  	s15 =	rddreg [dreg:$0x6];
	[sflag:s1] =	ssyncadd.s32 $0xFFFFC000  }
0x4a: {  	[hbm4b:s15+s2] =	stream.linear.scatter [tilespmem:s25], [sflag:$0x9], $0x4000, $0x38;
	[tilespmem:$0x1C080] =	vst v63  }
0x4b: {  	_ =	swait.ge [sflag:s0], $0x4000  }
0x4c: {  	[sflag:s0] =	ssyncset.done $0x0  }
0x4d: {  	s31 =	rddreg [dreg:$0x7];
	[sflag:s0] =	ssyncadd.s32 $0xFFFFC000  }
0x4e: {  	[hbm4b:s31+s2] =	stream.linear.scatter [tilespmem:s17], [sflag:$0xA], $0x4000, $0x38;
	[tilespmem:$0x1C080] =	vst v63  }
0x4f: {  	_ =	swait.ge [sflag:s29], $0x4000  }
0x50: {  	[sflag:s29] =	ssyncset.done $0x0  }
0x51: {  	s15 =	rddreg [dreg:$0x8];
	[sflag:s29] =	ssyncadd.s32 $0xFFFFC000  }
0x52: {  	[hbm4b:s15+s2] =	stream.linear.scatter [tilespmem:s16], [sflag:$0xB], $0x4000, $0x38;
	[tilespmem:$0x1C080] =	vst v63  }
0x53: {  	_ =	swait.ge [sflag:s26], $0x4000  }
0x54: {  	[sflag:s26] =	ssyncset.done $0x0  }
0x55: {  	s16 =	rddreg [dreg:$0x9];
	[sflag:s26] =	ssyncadd.s32 $0xFFFFC000  }
0x56: {  	[hbm4b:s16+s2] =	stream.linear.scatter [tilespmem:s21], [sflag:$0xC], $0x4000, $0x38;
	[tilespmem:$0x1C080] =	vst v63  }
0x57: {  	_ =	swait.ge [sflag:s23], $0x4000  }
0x58: {  	[sflag:s23] =	ssyncset.done $0x0  }
0x59: {  	s17 =	rddreg [dreg:$0xa];
	[sflag:s23] =	ssyncadd.s32 $0xFFFFC000  }
0x5a: {  	[hbm4b:s17+s2] =	stream.linear.scatter [tilespmem:s20], [sflag:$0xD], $0x4000, $0x38;
	[tilespmem:$0x1C080] =	vst v63  }
0x5b: {  	_ =	swait.ge [sflag:s19], $0x4000  }
0x5c: {  	[sflag:s19] =	ssyncset.done $0x0  }
0x5d: {  	s25 =	rddreg [dreg:$0xb];
	[sflag:s19] =	ssyncadd.s32 $0xFFFFC000  }
0x5e: {  	[hbm4b:s25+s2] =	stream.linear.scatter [tilespmem:s18], [sflag:$0xE], $0x4000, $0x38;
	[tilespmem:$0x1C080] =	vst v63  }
0x5f: {  	_ =	swait.ge [sflag:s8], $0x4000  }
0x60: {  	[sflag:s8] =	ssyncset.done $0x0  }
0x61: {  	s31 =	rddreg [dreg:$0xc];
	[sflag:s8] =	ssyncadd.s32 $0xFFFFC000  }
0x62: {  	[hbm4b:s31+s2] =	stream.linear.scatter [tilespmem:s5], [sflag:$0x8], $0x4000, $0x38;
	[tilespmem:$0x1C080] =	vst v63  }
0x63: {  	_ =	swait.ge [sflag:s14], $0x4000  }
0x64: {  	[sflag:s14] =	ssyncset.done $0x0  }
0x65: {  	[sflag:s14] =	ssyncadd.s32 $0xFFFFC000  }
0x66: {  	_ =	swait.ge [sflag:s12], $0x4000  }
0x67: {  	[sflag:s12] =	ssyncset.done $0x0  }
0x68: {  	[sflag:s12] =	ssyncadd.s32 $0xFFFFC000  }
0x69: {  	_ =	swait.ge [sflag:s11], $0x4000  }
0x6a: {  	[sflag:s11] =	ssyncset.done $0x0  }
0x6b: {  	[sflag:s11] =	ssyncadd.s32 $0xFFFFC000  }
0x6c: {  	_ =	swait.ge [sflag:s9], $0x4000  }
0x6d: {  	[sflag:s9] =	ssyncset.done $0x0  }
0x6e: {  	[sflag:s9] =	ssyncadd.s32 $0xFFFFC000  }
0x6f: {  	_ =	swait.ge [sflag:s7], $0x4000  }
0x70: {  	[sflag:s7] =	ssyncset.done $0x0  }
0x71: {  	p1 =	sne.s32 s6, $0x1;
	[sflag:s7] =	ssyncadd.s32 $0xFFFFC000  }
.Ltmp1:
0x72: {  	_ =	swait.ge [sflag:s24], $0x4000;
	(pc) =	sbr.rel @!p1 .LBB2_7-.Ltmp1, $4  }
0x73: {  	[sflag:s24] =	ssyncset.done $0x0  }
0x74: {  	[sflag:s24] =	ssyncadd.s32 $0xFFFFC000  }
0x75: {  	p0 =	por $0x1, $0x1;
	_ =	swait.ge [sflag:s4], $0x4000  }
0x76: {  	s13 =	sadd.s32 $0xFFFFFFFF, s6;
	s15 =	rddreg [dreg:$0x4];
	[sflag:s4] =	ssyncset.done $0x0  }
0x77: {  	s25 =	simm.s32 $0x8080;
	s31 =	simm.s32 $0xC080  }
.LBB2_4:
0x78: {  	[sflag:s4] =	ssyncadd.s32 $0xFFFFC000  }
0x79: {  	[tilespmem:s2], [sflag:$0xF] =	stream.linear.gather [hbm4b:s15+s2], $0x8, $0x38;
	[tilespmem:$0x1C080] =	vst v63  }
0x7a: {  	_ =	swait.ge [sflag:s10], $0x8  }
0x7b: {  	[sflag:s10] =	ssyncset.done $0x0  }
0x7c: {  	[sflag:s10] =	ssyncadd.s32 $0xFFFFFFF8  }
0x7d: {  	v0 =	vld [tilespmem:$0x0];
	_ =	sdelay $0x4  }
0x7e: {  	(v2sf) =	vpush v0, $0x0;
	_ =	sdelay $0xe  }
0x7f: {  	s6 =	rddreg [dreg:$0x11];
	s21 =	spop (v2sf)  }
0x80: {  	s20 =	rddreg [dreg:$0x10];
	s15 =	sshll.u32 s21, $0x16;
	s21 =	smov.u32 s22  }
0x81: {  	s16 =	sor.u32 s6, s15;
	s17 =	sor.u32 s28, s15;
	s18 =	sor.u32 s30, s15  }
0x82: {  	s20 =	sor.u32 s20, s15;
	s6 =	rddreg [dreg:$0xf];
	s16 =	sshrl.u32 s16, $0x3  }
0x83: {  	s17 =	sshrl.u32 s17, $0x3;
	s18 =	sshrl.u32 s18, $0x3;
	s16 =	sadd.s32 s3, s16  }
0x84: {  	[tilespmem:s5], [sflag:$0x1] =	stream.linear.gather [hbm4b:s16+s2], $0x4000, $0x38;
	[tilespmem:$0x1C080] =	vst v63  }
0x85: {  	s22 =	sor.u32 s6, s15;
	s6 =	simm.s32 $0x4080;
	s16 =	sadd.s32 s3, s17  }
0x86: {  	s17 =	sshrl.u32 s20, $0x3;
	s20 =	sshrl.u32 s22, $0x3;
	s22 =	rddreg [dreg:$0xe]  }
0x87: {  	[tilespmem:s6], [sflag:$0x2] =	stream.linear.gather [hbm4b:s16+s2], $0x4000, $0x38;
	[tilespmem:$0x1C080] =	vst v63  }
0x88: {  	s16 =	sadd.s32 s3, s18;
	s18 =	sor.u32 s22, s15;
	s22 =	rddreg [dreg:$0xd]  }
0x89: {  	s22 =	sor.u32 s22, s15  }
0x8a: {  	[tilespmem:s25], [sflag:$0x3] =	stream.linear.gather [hbm4b:s16+s2], $0x4000, $0x38;
	[tilespmem:$0x1C080] =	vst v63  }
0x8b: {  	s16 =	sadd.s32 s3, s17;
	s17 =	sshrl.u32 s18, $0x3;
	s18 =	sshrl.u32 s22, $0x3  }
0x8c: {  	[tilespmem:s31], [sflag:$0x4] =	stream.linear.gather [hbm4b:s16+s2], $0x4000, $0x38;
	[tilespmem:$0x1C080] =	vst v63  }
0x8d: {  	s22 =	smov.u32 s21;
	s21 =	simm.s32 $0x10080;
	s16 =	sadd.s32 s3, s20  }
0x8e: {  	[tilespmem:s21], [sflag:$0x5] =	stream.linear.gather [hbm4b:s16+s2], $0x4000, $0x38;
	[tilespmem:$0x1C080] =	vst v63  }
0x8f: {  	s17 =	sadd.s32 s3, s17;
	s20 =	simm.s32 $0x14080  }
0x90: {  	[tilespmem:s20], [sflag:$0x6] =	stream.linear.gather [hbm4b:s17+s2], $0x4000, $0x38;
	[tilespmem:$0x1C080] =	vst v63  }
0x91: {  	s17 =	sadd.s32 s3, s18;
	s18 =	simm.s32 $0x18080  }
0x92: {  	[tilespmem:s18], [sflag:$0x7] =	stream.linear.gather [hbm4b:s17+s2], $0x4000, $0x38;
	[tilespmem:$0x1C080] =	vst v63  }
0x93: {  	_ =	swait.ge [sflag:s8], $0x4000  }
0x94: {  	[sflag:s8] =	ssyncset.done $0x0  }
0x95: {  	s17 =	rddreg [dreg:$0x5];
	[sflag:s8] =	ssyncadd.s32 $0xFFFFC000  }
0x96: {  	[hbm4b:s17+s2] =	stream.linear.scatter [tilespmem:s5], [sflag:$0x8], $0x4000, $0x38;
	[tilespmem:$0x1C080] =	vst v63  }
0x97: {  	s15 =	sor.u32 s22, s15;
	_ =	swait.ge [sflag:s4], $0x4000  }
0x98: {  	s15 =	sshrl.u32 s15, $0x3;
	[sflag:s4] =	ssyncset.done $0x0  }
0x99: {  	s15 =	sadd.s32 s3, s15;
	[sflag:s4] =	ssyncadd.s32 $0xFFFFC000  }
0x9a: {  	[tilespmem:s5], [sflag:$0x1] =	stream.linear.gather [hbm4b:s15+s2], $0x4000, $0x38;
	[tilespmem:$0x1C080] =	vst v63  }
0x9b: {  	_ =	swait.ge [sflag:s1], $0x4000  }
0x9c: {  	[sflag:s1] =	ssyncset.done $0x0  }
0x9d: {  	s17 =	rddreg [dreg:$0x6];
	[sflag:s1] =	ssyncadd.s32 $0xFFFFC000  }
0x9e: {  	[hbm4b:s17+s2] =	stream.linear.scatter [tilespmem:s6], [sflag:$0x9], $0x4000, $0x38;
	[tilespmem:$0x1C080] =	vst v63  }
0x9f: {  	_ =	swait.ge [sflag:s0], $0x4000  }
0xa0: {  	[sflag:s0] =	ssyncset.done $0x0  }
0xa1: {  	s6 =	rddreg [dreg:$0x7];
	[sflag:s0] =	ssyncadd.s32 $0xFFFFC000  }
0xa2: {  	[hbm4b:s6+s2] =	stream.linear.scatter [tilespmem:s25], [sflag:$0xA], $0x4000, $0x38;
	[tilespmem:$0x1C080] =	vst v63  }
0xa3: {  	_ =	swait.ge [sflag:s29], $0x4000  }
0xa4: {  	[sflag:s29] =	ssyncset.done $0x0  }
0xa5: {  	s16 =	rddreg [dreg:$0x8];
	[sflag:s29] =	ssyncadd.s32 $0xFFFFC000  }
0xa6: {  	[hbm4b:s16+s2] =	stream.linear.scatter [tilespmem:s31], [sflag:$0xB], $0x4000, $0x38;
	[tilespmem:$0x1C080] =	vst v63  }
0xa7: {  	_ =	swait.ge [sflag:s26], $0x4000  }
0xa8: {  	[sflag:s26] =	ssyncset.done $0x0  }
0xa9: {  	s17 =	rddreg [dreg:$0x9];
	[sflag:s26] =	ssyncadd.s32 $0xFFFFC000  }
0xaa: {  	[hbm4b:s17+s2] =	stream.linear.scatter [tilespmem:s21], [sflag:$0xC], $0x4000, $0x38;
	[tilespmem:$0x1C080] =	vst v63  }
0xab: {  	_ =	swait.ge [sflag:s23], $0x4000  }
0xac: {  	[sflag:s23] =	ssyncset.done $0x0  }
0xad: {  	s6 =	rddreg [dreg:$0xa];
	[sflag:s23] =	ssyncadd.s32 $0xFFFFC000  }
0xae: {  	[hbm4b:s6+s2] =	stream.linear.scatter [tilespmem:s20], [sflag:$0xD], $0x4000, $0x38;
	[tilespmem:$0x1C080] =	vst v63  }
0xaf: {  	_ =	swait.ge [sflag:s19], $0x4000  }
0xb0: {  	[sflag:s19] =	ssyncset.done $0x0  }
0xb1: {  	s16 =	rddreg [dreg:$0xb];
	[sflag:s19] =	ssyncadd.s32 $0xFFFFC000  }
0xb2: {  	[hbm4b:s16+s2] =	stream.linear.scatter [tilespmem:s18], [sflag:$0xE], $0x4000, $0x38;
	[tilespmem:$0x1C080] =	vst v63  }
0xb3: {  	_ =	swait.ge [sflag:s8], $0x4000  }
0xb4: {  	[sflag:s8] =	ssyncset.done $0x0  }
0xb5: {  	s17 =	rddreg [dreg:$0xc];
	[sflag:s8] =	ssyncadd.s32 $0xFFFFC000  }
0xb6: {  	[hbm4b:s17+s2] =	stream.linear.scatter [tilespmem:s5], [sflag:$0x8], $0x4000, $0x38;
	[tilespmem:$0x1C080] =	vst v63  }
0xb7: {  	_ =	swait.ge [sflag:s14], $0x4000  }
0xb8: {  	[sflag:s14] =	ssyncset.done $0x0  }
0xb9: {  	[sflag:s14] =	ssyncadd.s32 $0xFFFFC000  }
0xba: {  	_ =	swait.ge [sflag:s12], $0x4000  }
0xbb: {  	[sflag:s12] =	ssyncset.done $0x0  }
0xbc: {  	[sflag:s12] =	ssyncadd.s32 $0xFFFFC000  }
0xbd: {  	_ =	swait.ge [sflag:s11], $0x4000  }
0xbe: {  	[sflag:s11] =	ssyncset.done $0x0  }
0xbf: {  	[sflag:s11] =	ssyncadd.s32 $0xFFFFC000  }
0xc0: {  	_ =	swait.ge [sflag:s9], $0x4000  }
0xc1: {  	[sflag:s9] =	ssyncset.done $0x0  }
0xc2: {  	[sflag:s9] =	ssyncadd.s32 $0xFFFFC000  }
0xc3: {  	_ =	swait.ge [sflag:s7], $0x4000  }
0xc4: {  	[sflag:s7] =	ssyncset.done $0x0  }
0xc5: {  	p1 =	sne.s32 s13, $0x1;
	[sflag:s7] =	ssyncadd.s32 $0xFFFFC000  }
.Ltmp2:
0xc6: {  	_ =	swait.ge [sflag:s24], $0x4000;
	(pc) =	sbr.rel @p1 .LBB2_4-.Ltmp2, $4  }
0xc7: {  	[sflag:s24] =	ssyncset.done $0x0  }
0xc8: {  	[sflag:s24] =	ssyncadd.s32 $0xFFFFC000  }
0xc9: {  	_ =	swait.ge [sflag:s4], $0x4000  }
0xca: {  	s13 =	sadd.s32 $0xFFFFFFFF, s13;
	s15 =	rddreg [dreg:$0x4];
	[sflag:s4] =	ssyncset.done $0x0  }
0xcb: {  	s31 =	rddreg [dreg:$0x10]  }
0xcc: {  	s25 =	smov.u32 s30;
	s30 =	rddreg [dreg:$0xf]  }
0xcd: {  	s17 =	rddreg [dreg:$0xe]  }
0xce: {  	s6 =	stileid.u32;
	s16 =	rddreg [dreg:$0x11]  }
.LBB2_6:
0xcf: {  	[sflag:s4] =	ssyncadd.s32 @p0 $0xFFFFC000  }
0xd0: {  	[tilespmem:s2], [sflag:$0xF] =	stream.linear.gather [hbm4b:s15+s2], $0x8, $0x38;
	[tilespmem:$0x1C080] =	vst v63  }
0xd1: {  	_ =	swait.ge [sflag:s10], $0x8  }
0xd2: {  	[sflag:s10] =	ssyncset.done $0x0  }
0xd3: {  	[sflag:s10] =	ssyncadd.s32 $0xFFFFFFF8  }
0xd4: {  	v0 =	vld [tilespmem:$0x0];
	_ =	sdelay $0x4  }
0xd5: {  	(v2sf) =	vpush v0, $0x0;
	_ =	sdelay $0xe  }
0xd6: {  	s15 =	spop (v2sf)  }
0xd7: {  	s10 =	sshll.u32 s15, $0x16  }
0xd8: {  	s13 =	sor.u32 s16, s10  }
0xd9: {  	s13 =	sshrl.u32 s13, $0x3  }
0xda: {  	s16 =	sor.u32 s28, s10;
	s13 =	sadd.s32 s3, s13  }
0xdb: {  	[tilespmem:s5], [sflag:$0x1] =	stream.linear.gather [hbm4b:s13+s2], $0x4000, $0x38;
	[tilespmem:$0x1C080] =	vst v63  }
0xdc: {  	s13 =	sshrl.u32 s16, $0x3  }
0xdd: {  	s25 =	sor.u32 s25, s10;
	s16 =	simm.s32 $0x4080;
	s13 =	sadd.s32 s3, s13  }
0xde: {  	[tilespmem:s16], [sflag:$0x2] =	stream.linear.gather [hbm4b:s13+s2], $0x4000, $0x38;
	[tilespmem:$0x1C080] =	vst v63  }
0xdf: {  	s13 =	sshrl.u32 s25, $0x3  }
0xe0: {  	s28 =	sor.u32 s31, s10;
	s25 =	simm.s32 $0x8080;
	s13 =	sadd.s32 s3, s13  }
0xe1: {  	[tilespmem:s25], [sflag:$0x3] =	stream.linear.gather [hbm4b:s13+s2], $0x4000, $0x38;
	[tilespmem:$0x1C080] =	vst v63  }
0xe2: {  	s13 =	sshrl.u32 s28, $0x3  }
0xe3: {  	s15 =	simm.s32 $0xC080;
	s31 =	sor.u32 s30, s10;
	s13 =	sadd.s32 s3, s13  }
0xe4: {  	[tilespmem:s15], [sflag:$0x4] =	stream.linear.gather [hbm4b:s13+s2], $0x4000, $0x38;
	[tilespmem:$0x1C080] =	vst v63  }
0xe5: {  	s13 =	sshrl.u32 s31, $0x3  }
0xe6: {  	s28 =	sor.u32 s17, s10;
	s13 =	sadd.s32 s3, s13  }
0xe7: {  	[tilespmem:s21], [sflag:$0x5] =	stream.linear.gather [hbm4b:s13+s2], $0x4000, $0x38;
	[tilespmem:$0x1C080] =	vst v63  }
0xe8: {  	s13 =	sshrl.u32 s28, $0x3  }
0xe9: {  	s30 =	rddreg [dreg:$0xd];
	s13 =	sadd.s32 s3, s13  }
0xea: {  	[tilespmem:s20], [sflag:$0x6] =	stream.linear.gather [hbm4b:s13+s2], $0x4000, $0x38;
	[tilespmem:$0x1C080] =	vst v63  }
0xeb: {  	s13 =	sor.u32 s30, s10  }
0xec: {  	s13 =	sshrl.u32 s13, $0x3  }
0xed: {  	s13 =	sadd.s32 s3, s13  }
0xee: {  	[tilespmem:s18], [sflag:$0x7] =	stream.linear.gather [hbm4b:s13+s2], $0x4000, $0x38;
	[tilespmem:$0x1C080] =	vst v63  }
0xef: {  	_ =	swait.ge [sflag:s8], $0x4000  }
0xf0: {  	[sflag:s8] =	ssyncset.done $0x0  }
0xf1: {  	s31 =	rddreg [dreg:$0x5];
	[sflag:s8] =	ssyncadd.s32 $0xFFFFC000  }
0xf2: {  	[hbm4b:s31+s2] =	stream.linear.scatter [tilespmem:s5], [sflag:$0x8], $0x4000, $0x38;
	[tilespmem:$0x1C080] =	vst v63  }
0xf3: {  	s10 =	sor.u32 s22, s10;
	_ =	swait.ge [sflag:s4], $0x4000  }
0xf4: {  	s10 =	sshrl.u32 s10, $0x3;
	[sflag:s4] =	ssyncset.done $0x0  }
0xf5: {  	s13 =	sadd.s32 s3, s10;
	[sflag:s4] =	ssyncadd.s32 $0xFFFFC000  }
0xf6: {  	[tilespmem:s5], [sflag:$0x1] =	stream.linear.gather [hbm4b:s13+s2], $0x4000, $0x38;
	[tilespmem:$0x1C080] =	vst v63  }
0xf7: {  	_ =	swait.ge [sflag:s1], $0x4000  }
0xf8: {  	[sflag:s1] =	ssyncset.done $0x0  }
0xf9: {  	s17 =	rddreg [dreg:$0x6];
	[sflag:s1] =	ssyncadd.s32 $0xFFFFC000  }
0xfa: {  	[hbm4b:s17+s2] =	stream.linear.scatter [tilespmem:s16], [sflag:$0x9], $0x4000, $0x38;
	[tilespmem:$0x1C080] =	vst v63  }
0xfb: {  	_ =	swait.ge [sflag:s0], $0x4000  }
0xfc: {  	[sflag:s0] =	ssyncset.done $0x0  }
0xfd: {  	s22 =	rddreg [dreg:$0x7];
	[sflag:s0] =	ssyncadd.s32 $0xFFFFC000  }
0xfe: {  	[hbm4b:s22+s2] =	stream.linear.scatter [tilespmem:s25], [sflag:$0xA], $0x4000, $0x38;
	[tilespmem:$0x1C080] =	vst v63  }
0xff: {  	_ =	swait.ge [sflag:s29], $0x4000  }
0x100: {  	[sflag:s29] =	ssyncset.done $0x0  }
0x101: {  	s25 =	rddreg [dreg:$0x8];
	[sflag:s29] =	ssyncadd.s32 $0xFFFFC000  }
0x102: {  	[hbm4b:s25+s2] =	stream.linear.scatter [tilespmem:s15], [sflag:$0xB], $0x4000, $0x38;
	[tilespmem:$0x1C080] =	vst v63  }
0x103: {  	_ =	swait.ge [sflag:s26], $0x4000  }
0x104: {  	[sflag:s26] =	ssyncset.done $0x0  }
0x105: {  	s28 =	rddreg [dreg:$0x9];
	[sflag:s26] =	ssyncadd.s32 $0xFFFFC000  }
0x106: {  	[hbm4b:s28+s2] =	stream.linear.scatter [tilespmem:s21], [sflag:$0xC], $0x4000, $0x38;
	[tilespmem:$0x1C080] =	vst v63  }
0x107: {  	_ =	swait.ge [sflag:s23], $0x4000  }
0x108: {  	[sflag:s23] =	ssyncset.done $0x0  }
0x109: {  	s29 =	rddreg [dreg:$0xa];
	[sflag:s23] =	ssyncadd.s32 $0xFFFFC000  }
0x10a: {  	[hbm4b:s29+s2] =	stream.linear.scatter [tilespmem:s20], [sflag:$0xD], $0x4000, $0x38;
	[tilespmem:$0x1C080] =	vst v63  }
0x10b: {  	_ =	swait.ge [sflag:s19], $0x4000  }
0x10c: {  	[sflag:s19] =	ssyncset.done $0x0  }
0x10d: {  	s30 =	rddreg [dreg:$0xb];
	[sflag:s19] =	ssyncadd.s32 $0xFFFFC000  }
0x10e: {  	[hbm4b:s30+s2] =	stream.linear.scatter [tilespmem:s18], [sflag:$0xE], $0x4000, $0x38;
	[tilespmem:$0x1C080] =	vst v63  }
0x10f: {  	_ =	swait.ge [sflag:s8], $0x4000  }
0x110: {  	[sflag:s8] =	ssyncset.done $0x0  }
0x111: {  	s31 =	rddreg [dreg:$0xc];
	[sflag:s8] =	ssyncadd.s32 $0xFFFFC000  }
0x112: {  	[hbm4b:s31+s2] =	stream.linear.scatter [tilespmem:s5], [sflag:$0x8], $0x4000, $0x38;
	[tilespmem:$0x1C080] =	vst v63  }
0x113: {  	_ =	swait.ge [sflag:s14], $0x4000  }
0x114: {  	[sflag:s14] =	ssyncset.done $0x0  }
0x115: {  	[sflag:s14] =	ssyncadd.s32 $0xFFFFC000  }
0x116: {  	_ =	swait.ge [sflag:s12], $0x4000  }
0x117: {  	[sflag:s12] =	ssyncset.done $0x0  }
0x118: {  	[sflag:s12] =	ssyncadd.s32 $0xFFFFC000  }
0x119: {  	_ =	swait.ge [sflag:s11], $0x4000  }
0x11a: {  	[sflag:s11] =	ssyncset.done $0x0  }
0x11b: {  	[sflag:s11] =	ssyncadd.s32 $0xFFFFC000  }
0x11c: {  	_ =	swait.ge [sflag:s9], $0x4000  }
0x11d: {  	[sflag:s9] =	ssyncset.done $0x0  }
0x11e: {  	[sflag:s9] =	ssyncadd.s32 $0xFFFFC000  }
0x11f: {  	_ =	swait.ge [sflag:s7], $0x4000  }
0x120: {  	[sflag:s7] =	ssyncset.done $0x0  }
0x121: {  	[sflag:s7] =	ssyncadd.s32 $0xFFFFC000  }
0x122: {  	_ =	swait.ge [sflag:s24], $0x4000  }
0x123: {  	[sflag:s24] =	ssyncset.done $0x0  }
0x124: {  	[sflag:s24] =	ssyncadd.s32 $0xFFFFC000  }
0x125: {  	_ =	swait.ge [sflag:s4], $0x4000  }
0x126: {  	[sflag:s4] =	ssyncset.done $0x0  }
0x127: {  	[sflag:s4] =	ssyncadd.s32 $0xFFFFC000  }
0x128: {  	_ =	sfence.sel $0x180000  }
0x129: {  	[bflag:$0x0] =	sbarrier.arrive $0xFFFF  }
0x12a: {  	_ =	strace $0x90000047  }
0x12b: {  	[bflag:$0x2] =	sbarrier.arrive $0xFFFF  }
0x12c: {  	p0 =	sne.s32 s6, $0x0;
	s0 =	rddreg [dreg:$0x3]  }
0x12d: {  	s0 =	sadd.s32 @!p0 $0x100000, s0  }
0x12e: {  	[sflag:s0] =	ssyncadd.tile.s32 @!p0 $0x1;
	_ =	shalt  }
.LBB2_1:
.Ltmp3:
0x12f: {  	(pc) =	sbr.rel .LBB2_6-.Ltmp3, $4  }
0x130: {  	_ = 	snop  }
0x131: {  	s31 =	rddreg [dreg:$0x10]  }
0x132: {  	s25 =	smov.u32 s30;
	s30 =	rddreg [dreg:$0xf]  }
0x133: {  	s17 =	rddreg [dreg:$0xe];
	s6 =	stileid.u32  }
.LBB2_7:
.Ltmp4:
0x134: {  	(pc) =	sbr.rel .LBB2_6-.Ltmp4, $4  }
0x135: {  	s31 =	rddreg [dreg:$0x10]  }
0x136: {  	s25 =	smov.u32 s30;
	s30 =	rddreg [dreg:$0xf]  }
0x137: {  	s17 =	rddreg [dreg:$0xe]  }
0x138: {  	s6 =	stileid.u32;
	s16 =	rddreg [dreg:$0x11]  }
.Lfunc_end2:
_tile_overlayer_lowered:
.L_overlay_start_2:
0x139: {  	(tag) =	ssettag $0x2  }
0x13a: {  	s0 =	rddreg [dreg:$0x0];
	s2 =	stileid.u32  }
0x13b: {  	s1 =	rddreg [dreg:$0x1];
	p0 =	sne.s32 s2, $0x0  }
0x13c: {  	s3 =	rddreg [dreg:$0x2];
	[bflag:$0x3] =	sbarrier.arrive $0xFFFF;
	s2 =	simm.s32 @!p0 $0x1C0F  }
0x13d: {  	[timem:s3], [sflag:s2] =	dma.local @!p0 [hbm:s0], s1  }
0x13e: {  	s0 =	simm.s32 @!p0 $0xF  }
0x13f: {  	_ =	swait.ge @!p0 [sflag:s0], s1  }
0x140: {  	s1 =	ssub.s32 @!p0 $0x0, s1;
	[sflag:s0] =	ssyncset.done @!p0 $0x0  }
0x141: {  	[sflag:s0] =	ssyncadd.s32 @!p0 s1  }
0x142: {  	[bflag:$0x3] =	sbarrier.arrive $0xFFFF  }
0x143: {  	_ =	shalt  }

</sc_bundles>
